<compile_context>
chip_gen: v7x
topology: tpu7x:2x2x1
jax: 0.10.2.dev20260603
libtpu: 0.0.44.dev20260713+nightly
codegen_flags: <defaults>
</compile_context>

<pallas_src>
import functools
import math

import jax
import jax.numpy as jnp
from jax import lax
from jax.experimental import pallas as pl
from jax.experimental.pallas import tpu as pltpu
from jax.experimental.pallas import tpu_sc as plsc

D_MODEL = 1024
D_HIDDEN = 4096
N_EXPERTS = 8
EPAD = 128
N_TOKENS = 4096
CAPACITY = 640
TT = 256
NT = N_TOKENS // TT
CHUNK = 128
NCHUNK = N_TOKENS // CHUNK
RT = 128
NRT = CAPACITY // RT

_NC, _NS = 2, 16
_NW = _NC * _NS
_BPW = (N_EXPERTS * CAPACITY) // _NW
_GCH = 40
_NGC = _BPW // _GCH


def _scores_body(x_ref, w1_ref, w2_ref, st_ref, imp_ref):
    t = pl.program_id(0)
    h = jnp.maximum(
        jnp.dot(x_ref[...], w1_ref[...], preferred_element_type=jnp.float32),
        0.0)
    s = jnp.dot(h.astype(jnp.bfloat16), w2_ref[...],
                preferred_element_type=jnp.float32)
    st = lax.transpose(s, (1, 0))
    st_ref[:, 0, :] = st
    lane = lax.broadcasted_iota(jnp.int32, (TT, EPAD), 1)
    masked = jnp.where(lane < N_EXPERTS, s, -1e30)
    m = jnp.max(masked, axis=1, keepdims=True)
    e = jnp.exp(masked - m)
    p = e / jnp.sum(e, axis=1, keepdims=True)
    part = jnp.sum(p, axis=0)

    @pl.when(t == 0)
    def _():
        imp_ref[...] = jnp.zeros_like(imp_ref)

    imp_ref[...] += part[None, :]


def _compute_scores(x2d, w1, w2p):
    return pl.pallas_call(
        _scores_body,
        grid=(NT,),
        in_specs=[
            pl.BlockSpec((TT, D_MODEL), lambda t: (t, 0)),
            pl.BlockSpec((D_MODEL, D_HIDDEN), lambda t: (0, 0)),
            pl.BlockSpec((D_HIDDEN, EPAD), lambda t: (0, 0)),
        ],
        out_specs=[
            pl.BlockSpec((EPAD, 1, TT), lambda t: (0, 0, t)),
            pl.BlockSpec((N_EXPERTS, EPAD), lambda t: (0, 0)),
        ],
        out_shape=[
            jax.ShapeDtypeStruct((EPAD, 1, N_TOKENS), jnp.float32),
            jax.ShapeDtypeStruct((N_EXPERTS, EPAD), jnp.float32),
        ],
    )(x2d, w1, w2p)


def _topk_body(s_ref, ts_ref, ti_ref):
    srows = s_ref[:, 0, :]
    f32, i32, u32, bf16 = jnp.float32, jnp.int32, jnp.uint32, jnp.bfloat16
    b = lax.bitcast_convert_type(srows, i32)
    key_s = b ^ (lax.shift_right_arithmetic(b, 31) &
                 jnp.int32(0x7FFFFFFF))
    ku = lax.bitcast_convert_type(key_s, u32) ^ jnp.uint32(0x80000000)

    def radix_step(k, t):
        cand = t | (jnp.uint32(1) << (jnp.uint32(31) - k.astype(u32)))
        c = jnp.sum((ku >= cand).astype(i32))
        return jnp.where(c >= CAPACITY, cand, t)

    t = lax.fori_loop(0, 32, radix_step, jnp.uint32(0))
    gt = ku > t
    eq = ku == t
    m = jnp.sum(gt.astype(i32)).astype(f32)

    li = lax.broadcasted_iota(i32, (CHUNK, CHUNK), 0)
    lj = lax.broadcasted_iota(i32, (CHUNK, CHUNK), 1)
    L = (li <= lj).astype(bf16)
    ri = lax.broadcasted_iota(i32, (NCHUNK, NCHUNK), 0)
    rj = lax.broadcasted_iota(i32, (NCHUNK, NCHUNK), 1)
    S = (rj < ri).astype(bf16)

    def cumsum_tokens(mask):
        p = jnp.dot(mask.astype(bf16), L, preferred_element_type=f32)
        rowtot = p[:, CHUNK - 1:CHUNK].astype(bf16)
        epre = jnp.dot(S, rowtot, preferred_element_type=f32)
        return p + epre

    cume = cumsum_tokens(eq)
    sel = jnp.logical_or(gt, jnp.logical_and(eq, (m + cume) <= CAPACITY))
    pos = cumsum_tokens(sel) - 1.0

    pcol = lax.broadcasted_iota(i32, (CAPACITY, 1), 0).astype(f32)
    acc_cs = jnp.zeros((CAPACITY, CHUNK), f32)
    acc_ci = jnp.zeros((CAPACITY, CHUNK), f32)
    for c in range(NCHUNK):
        posr = pos[c:c + 1, :]
        selr = sel[c:c + 1, :]
        sr = srows[c:c + 1, :]
        jr = (lax.broadcasted_iota(i32, (1, CHUNK), 1) + (c * CHUNK)
              ).astype(f32)
        ohc = jnp.logical_and(posr == pcol, selr)
        acc_cs = acc_cs + jnp.where(ohc, sr, 0.0)
        acc_ci = acc_ci + jnp.where(ohc, jr, 0.0)
    cs_col = jnp.sum(acc_cs, axis=1, keepdims=True)
    ci_col = jnp.sum(acc_ci, axis=1, keepdims=True)

    cs_row = lax.transpose(cs_col, (1, 0))
    ci_row = lax.transpose(ci_col, (1, 0))
    before = jnp.logical_or(
        cs_col > cs_row,
        jnp.logical_and(cs_col == cs_row, ci_col < ci_row))
    rank_row = jnp.sum(before.astype(f32), axis=0, keepdims=True)
    rank_col = lax.transpose(rank_row, (1, 0))

    r_row = lax.broadcasted_iota(i32, (1, CAPACITY), 1).astype(f32)
    ohT = rank_col == r_row
    ts_ref[0, 0, :] = jnp.sum(jnp.where(ohT, cs_col, 0.0), axis=0)
    ti_ref[0, 0, :] = jnp.sum(jnp.where(ohT, ci_col, 0.0),
                              axis=0).astype(i32)


def _topk(stc):
    return pl.pallas_call(
        _topk_body,
        grid=(N_EXPERTS,),
        in_specs=[pl.BlockSpec((NCHUNK, 1, CHUNK), lambda e: (e, 0, 0))],
        out_specs=[
            pl.BlockSpec((1, 1, CAPACITY), lambda e: (e, 0, 0)),
            pl.BlockSpec((1, 1, CAPACITY), lambda e: (e, 0, 0)),
        ],
        out_shape=[
            jax.ShapeDtypeStruct((N_EXPERTS, 1, CAPACITY), jnp.float32),
            jax.ShapeDtypeStruct((N_EXPERTS, 1, CAPACITY), jnp.int32),
        ],
    )(stc)


def _onehot_body(ti_ref, oh_ref, load_ref):
    rt = pl.program_id(1)
    ti_col = lax.transpose(ti_ref[0], (1, 0))
    jidx = lax.broadcasted_iota(jnp.int32, (RT, N_TOKENS), 1)
    oh = jnp.where(jidx == ti_col, 1.0, 0.0).astype(jnp.float32)
    oh_ref[0] = oh

    @pl.when(rt == 0)
    def _():
        load_ref[0, 0, :] = jnp.zeros((EPAD,), jnp.float32)

    load_ref[0, 0, :] += jnp.zeros((EPAD,), jnp.float32) + jnp.sum(oh)


def _onehot(ti40):
    return pl.pallas_call(
        _onehot_body,
        grid=(N_EXPERTS, NRT),
        in_specs=[pl.BlockSpec((1, 1, RT), lambda e, rt: (e * NRT + rt, 0, 0))],
        out_specs=[
            pl.BlockSpec((1, RT, N_TOKENS), lambda e, rt: (e * NRT + rt, 0, 0)),
            pl.BlockSpec((1, 1, EPAD), lambda e, rt: (e, 0, 0)),
        ],
        out_shape=[
            jax.ShapeDtypeStruct((N_EXPERTS * NRT, RT, N_TOKENS), jnp.float32),
            jax.ShapeDtypeStruct((N_EXPERTS, 1, EPAD), jnp.float32),
        ],
    )(ti40)


def _sc_gather(x2d, idx3):
    mesh = plsc.VectorSubcoreMesh(core_axis_name="c", subcore_axis_name="s")

    @functools.partial(
        pl.kernel,
        mesh=mesh,
        out_type=jax.ShapeDtypeStruct((_NW, _NGC, _GCH, D_MODEL), jnp.float32),
        scratch_types=[
            pltpu.VMEM((_NGC, _GCH), jnp.int32),
            pltpu.VMEM((_GCH, D_MODEL), jnp.float32),
            pltpu.VMEM((_GCH, D_MODEL), jnp.float32),
            pltpu.SemaphoreType.DMA,
            pltpu.SemaphoreType.DMA,
        ],
    )
    def k(x_hbm, idx_hbm, out_hbm, idx_v, rows0, rows1, sem0, sem1):
        wid = lax.axis_index("s") * _NC + lax.axis_index("c")
        pltpu.sync_copy(idx_hbm.at[wid], idx_v)
        bufs = (rows0, rows1)
        sems = (sem0, sem1)
        pending = pltpu.async_copy(x_hbm.at[idx_v.at[0]], bufs[0], sems[0])
        for c in range(_NGC):
            nxt = None
            if c + 1 < _NGC:
                nxt = pltpu.async_copy(x_hbm.at[idx_v.at[c + 1]],
                                       bufs[(c + 1) % 2], sems[(c + 1) % 2])
            pending.wait()
            pltpu.sync_copy(bufs[c % 2], out_hbm.at[wid, c])
            pending = nxt

    return k(x2d, idx3)


def kernel(x, W1, b1, W2, b2):
    x2d = x.reshape(-1, D_MODEL)
    w2p = jnp.pad(W2, ((0, 0), (0, EPAD - N_EXPERTS)))
    st3, imp = _compute_scores(x2d.astype(jnp.bfloat16),
                               W1.astype(jnp.bfloat16),
                               w2p.astype(jnp.bfloat16))
    stc = st3.reshape(EPAD * NCHUNK, 1, CHUNK)[:N_EXPERTS * NCHUNK]
    ts2, ti2 = _topk(stc)
    ti40 = ti2.reshape(N_EXPERTS * NRT, 1, RT)
    oh3, load3 = _onehot(ti40)
    idx3 = ti2.reshape(_NW, _NGC, _GCH)
    disp = _sc_gather(x2d, idx3).reshape(N_EXPERTS, CAPACITY, D_MODEL)
    one_hot = oh3.reshape(N_EXPERTS, CAPACITY, N_TOKENS)
    top_scores = ts2.reshape(N_EXPERTS, CAPACITY)
    top_indices = ti2.reshape(N_EXPERTS, CAPACITY)
    importance = imp[0, :N_EXPERTS]
    load = load3[:, 0, 0] + 1e-6
    load_loss = jnp.var(load, ddof=1) / (jnp.mean(load) ** 2 + 1e-6)
    importance_loss = (jnp.var(importance, ddof=1) /
                       (jnp.mean(importance) ** 2 + 1e-6))
    return (disp, one_hot, top_scores, top_indices, load_loss,
            importance_loss)

# --- scband reference (transcript-rebuilt; emitter-appended) ---
"""Pipeline reference for scband-expert-choice-router-81844896792932 (READ-ONLY COPY).

The authoritative reference and input builder live on the scoring server;
editing this copy changes nothing except your own understanding.
"""

import math
import jax, jax.numpy as jnp
import numpy as np

D_MODEL = 1024
N_EXPERTS = 8
CAPACITY_FACTOR = 1.25


def setup_inputs(seed: int = 0) -> dict:
    key = jax.random.key(seed)
    k1, k2, k3 = jax.random.split(key, 3)
    x = jax.random.normal(k1, (2, 2048, D_MODEL), dtype=jnp.float32)
    W1 = jax.random.normal(k2, (D_MODEL, 4 * D_MODEL), dtype=jnp.float32) * (1.0 / math.sqrt(D_MODEL))
    b1 = jnp.zeros((4 * D_MODEL,), dtype=jnp.float32)
    W2 = jax.random.normal(k3, (4 * D_MODEL, N_EXPERTS), dtype=jnp.float32) * (1.0 / math.sqrt(4 * D_MODEL))
    b2 = jnp.zeros((N_EXPERTS,), dtype=jnp.float32)
    return {"x": x, "W1": W1, "b1": b1, "W2": W2, "b2": b2}


def reference(x, W1, b1, W2, b2):
    x_flat = x.reshape(-1, x.shape[-1])
    N = x_flat.shape[0]
    h = jax.nn.relu(x_flat @ W1 + b1)
    scores = h @ W2 + b2  # [N, E]
    capacity = math.ceil(CAPACITY_FACTOR * N / N_EXPERTS)
    # expert-choice: each expert picks its top-`capacity` tokens
    top_scores, top_indices = jax.lax.top_k(scores.T, capacity)  # [E, cap]
    dispatched_tokens = jnp.take(x_flat, top_indices, axis=0)  # [E, cap, d]
    expert_to_token_assignment = jax.nn.one_hot(top_indices, N, dtype=x.dtype)  # [E, cap, N]
    probs = jax.nn.softmax(scores, axis=-1)
    importance = probs.sum(axis=0)
    load = expert_to_token_assignment.sum(axis=(1, 2)) + 1e-06
    # torch.var defaults to unbiased (ddof=1)
    load_loss = jnp.var(load, ddof=1) / (jnp.mean(load) ** 2 + 1e-06)
    importance_loss = jnp.var(importance, ddof=1) / (jnp.mean(importance) ** 2 + 1e-06)
    return (dispatched_tokens, expert_to_token_assignment, top_scores, top_indices, load_loss, importance_loss)

if __name__ == "__main__":
    import jax
    _d = setup_inputs()
    print(jax.jit(kernel)(*tuple(_d.values())))

</pallas_src>

<mosaic_0001>
#map = affine_map<(d0, d1) -> (0, 0)>
#map1 = affine_map<(d0, d1) -> (0, 0, 0)>
#map2 = affine_map<(d0, d1) -> (0, 0, 0, 0)>
module attributes {stable_mosaic.version = 14 : i64} {
  func.func @k(%arg0: i32, %arg1: i32, %arg2: memref<4096x1024xf32, #tpu.memory_space<hbm>>, %arg3: memref<32x4x40xi32, #tpu.memory_space<hbm>>, %arg4: memref<32x4x40x1024xf32, #tpu.memory_space<hbm>>, %arg5: memref<4x40xi32, #tpu.memory_space<vmem>>, %arg6: memref<40x1024xf32, #tpu.memory_space<vmem>>, %arg7: memref<40x1024xf32, #tpu.memory_space<vmem>>, %arg8: memref<!tpu.dma_semaphore, #tpu.memory_space<semaphore_mem>>, %arg9: memref<!tpu.dma_semaphore, #tpu.memory_space<semaphore_mem>>) attributes {dimension_semantics = [#tpu.dimension_semantics<core_parallel>, #tpu.dimension_semantics<subcore_parallel>], iteration_bounds = array<i64: 2, 16>, scalar_prefetch = 0 : i64, scratch_operands = 5 : i64, tpu.core_type = #tpu.core_type<sc_vector_subcore>, window_params = [{transform_indices = #map}, {transform_indices = #map1}, {transform_indices = #map2}]} {
    %mul3A = arith.constant 2 : i32
    %mul3A_0 = arith.muli %arg1, %mul3A : i32
    %add3A = arith.addi %mul3A_0, %arg0 : i32
    "tpu.region"() ({
      %run_scoped3A_58 = tpu.sem_alloc : memref<!tpu.dma_semaphore, #tpu.memory_space<semaphore_mem>>
      %dma_start3A_59 = arith.constant 0 : i32
      %dma_start3A_60 = arith.constant 0 : i32
      %dma_start3A_61 = tpu.memref_slice %arg3[%add3A, %dma_start3A_59, %dma_start3A_60] : memref<32x4x40xi32, #tpu.memory_space<hbm>> -> memref<1x4x40xi32, #tpu.memory_space<hbm>>
      %dma_start3A_62 = tpu.memref_squeeze %dma_start3A_61 : memref<1x4x40xi32, #tpu.memory_space<hbm>> -> memref<4x40xi32, #tpu.memory_space<hbm>>
      %dma_start3A_63 = arith.constant 0 : i32
      %dma_start3A_64 = arith.constant 0 : i32
      %dma_start3A_65 = tpu.memref_slice %arg3[%add3A, %dma_start3A_63, %dma_start3A_64] : memref<32x4x40xi32, #tpu.memory_space<hbm>> -> memref<1x4x40xi32, #tpu.memory_space<hbm>>
      %dma_start3A_66 = tpu.memref_squeeze %dma_start3A_65 : memref<1x4x40xi32, #tpu.memory_space<hbm>> -> memref<4x40xi32, #tpu.memory_space<hbm>>
      tpu.enqueue_dma source(%dma_start3A_66 : memref<4x40xi32, #tpu.memory_space<hbm>>) target(%arg5 : memref<4x40xi32, #tpu.memory_space<vmem>>) target_semaphore(%run_scoped3A_58 : memref<!tpu.dma_semaphore, #tpu.memory_space<semaphore_mem>>)
      %dma_wait3A_67 = arith.constant 0 : i32
      %dma_wait3A_68 = arith.constant 0 : i32
      %dma_wait3A_69 = tpu.memref_slice %arg3[%add3A, %dma_wait3A_67, %dma_wait3A_68] : memref<32x4x40xi32, #tpu.memory_space<hbm>> -> memref<1x4x40xi32, #tpu.memory_space<hbm>>
      %dma_wait3A_70 = tpu.memref_squeeze %dma_wait3A_69 : memref<1x4x40xi32, #tpu.memory_space<hbm>> -> memref<4x40xi32, #tpu.memory_space<hbm>>
      %dma_wait3A_71 = arith.constant 0 : i32
      %dma_wait3A_72 = arith.constant 0 : i32
      %dma_wait3A_73 = tpu.memref_slice %arg3[%add3A, %dma_wait3A_71, %dma_wait3A_72] : memref<32x4x40xi32, #tpu.memory_space<hbm>> -> memref<1x4x40xi32, #tpu.memory_space<hbm>>
      %dma_wait3A_74 = tpu.memref_squeeze %dma_wait3A_73 : memref<1x4x40xi32, #tpu.memory_space<hbm>> -> memref<4x40xi32, #tpu.memory_space<hbm>>
      tpu.wait_dma2 semaphore(%run_scoped3A_58 : memref<!tpu.dma_semaphore, #tpu.memory_space<semaphore_mem>>) src(%dma_wait3A_74 : memref<4x40xi32, #tpu.memory_space<hbm>>) dst(%arg5 : memref<4x40xi32, #tpu.memory_space<vmem>>)
      tpu.yield
    }) : () -> ()
    %dma_start3A = arith.constant 0 : i32
    %dma_start3A_1 = arith.constant 0 : i32
    %dma_start3A_2 = tpu.memref_slice %arg5[%dma_start3A, %dma_start3A_1] : memref<4x40xi32, #tpu.memory_space<vmem>> -> memref<1x40xi32, #tpu.memory_space<vmem>>
    %dma_start3A_3 = tpu.memref_squeeze %dma_start3A_2 : memref<1x40xi32, #tpu.memory_space<vmem>> -> memref<40xi32, #tpu.memory_space<vmem>>
    %dma_start3A_4 = arith.constant 0 : i32
    %dma_start3A_5 = arith.constant 0 : i32
    %dma_start3A_6 = tpu.memref_slice %arg2[%dma_start3A_4, %dma_start3A_5] : memref<4096x1024xf32, #tpu.memory_space<hbm>> -> memref<4096x1024xf32, #tpu.memory_space<hbm>>
    tpu.enqueue_indirect_dma source(%dma_start3A_6 : memref<4096x1024xf32, #tpu.memory_space<hbm>>) target(%arg6 : memref<40x1024xf32, #tpu.memory_space<vmem>>) offsets(%dma_start3A_3 : memref<40xi32, #tpu.memory_space<vmem>>) semaphore(%arg8 : memref<!tpu.dma_semaphore, #tpu.memory_space<semaphore_mem>>)
    %dma_start3A_7 = arith.constant 1 : i32
    %dma_start3A_8 = arith.constant 0 : i32
    %dma_start3A_9 = tpu.memref_slice %arg5[%dma_start3A_7, %dma_start3A_8] : memref<4x40xi32, #tpu.memory_space<vmem>> -> memref<1x40xi32, #tpu.memory_space<vmem>>
    %dma_start3A_10 = tpu.memref_squeeze %dma_start3A_9 : memref<1x40xi32, #tpu.memory_space<vmem>> -> memref<40xi32, #tpu.memory_space<vmem>>
    %dma_start3A_11 = arith.constant 0 : i32
    %dma_start3A_12 = arith.constant 0 : i32
    %dma_start3A_13 = tpu.memref_slice %arg2[%dma_start3A_11, %dma_start3A_12] : memref<4096x1024xf32, #tpu.memory_space<hbm>> -> memref<4096x1024xf32, #tpu.memory_space<hbm>>
    tpu.enqueue_indirect_dma source(%dma_start3A_13 : memref<4096x1024xf32, #tpu.memory_space<hbm>>) target(%arg7 : memref<40x1024xf32, #tpu.memory_space<vmem>>) offsets(%dma_start3A_10 : memref<40xi32, #tpu.memory_space<vmem>>) semaphore(%arg9 : memref<!tpu.dma_semaphore, #tpu.memory_space<semaphore_mem>>)
    %dma_wait3A = arith.constant 0 : i32
    %dma_wait3A_14 = arith.constant 0 : i32
    %dma_wait3A_15 = tpu.memref_slice %arg5[%dma_wait3A, %dma_wait3A_14] : memref<4x40xi32, #tpu.memory_space<vmem>> -> memref<1x40xi32, #tpu.memory_space<vmem>>
    %dma_wait3A_16 = tpu.memref_squeeze %dma_wait3A_15 : memref<1x40xi32, #tpu.memory_space<vmem>> -> memref<40xi32, #tpu.memory_space<vmem>>
    %dma_wait3A_17 = arith.constant 0 : i32
    %dma_wait3A_18 = arith.constant 0 : i32
    %dma_wait3A_19 = tpu.memref_slice %arg2[%dma_wait3A_17, %dma_wait3A_18] : memref<4096x1024xf32, #tpu.memory_space<hbm>> -> memref<4096x1024xf32, #tpu.memory_space<hbm>>
    tpu.wait_indirect_dma semaphore(%arg8 : memref<!tpu.dma_semaphore, #tpu.memory_space<semaphore_mem>>) src(%dma_wait3A_19 : memref<4096x1024xf32, #tpu.memory_space<hbm>>) dst(%arg6 : memref<40x1024xf32, #tpu.memory_space<vmem>>)
    %run_scoped3A = arith.constant 0 : i32
    "tpu.region"() ({
      %run_scoped3A_58 = tpu.sem_alloc : memref<!tpu.dma_semaphore, #tpu.memory_space<semaphore_mem>>
      %dma_start3A_59 = arith.constant 0 : i32
      %dma_start3A_60 = arith.constant 0 : i32
      %dma_start3A_61 = tpu.memref_slice %arg4[%add3A, %run_scoped3A, %dma_start3A_59, %dma_start3A_60] : memref<32x4x40x1024xf32, #tpu.memory_space<hbm>> -> memref<1x1x40x1024xf32, #tpu.memory_space<hbm>>
      %dma_start3A_62 = tpu.memref_squeeze %dma_start3A_61 : memref<1x1x40x1024xf32, #tpu.memory_space<hbm>> -> memref<40x1024xf32, #tpu.memory_space<hbm>>
      %dma_start3A_63 = arith.constant 0 : i32
      %dma_start3A_64 = arith.constant 0 : i32
      %dma_start3A_65 = tpu.memref_slice %arg4[%add3A, %run_scoped3A, %dma_start3A_63, %dma_start3A_64] : memref<32x4x40x1024xf32, #tpu.memory_space<hbm>> -> memref<1x1x40x1024xf32, #tpu.memory_space<hbm>>
      %dma_start3A_66 = tpu.memref_squeeze %dma_start3A_65 : memref<1x1x40x1024xf32, #tpu.memory_space<hbm>> -> memref<40x1024xf32, #tpu.memory_space<hbm>>
      tpu.enqueue_dma source(%arg6 : memref<40x1024xf32, #tpu.memory_space<vmem>>) target(%dma_start3A_66 : memref<40x1024xf32, #tpu.memory_space<hbm>>) target_semaphore(%run_scoped3A_58 : memref<!tpu.dma_semaphore, #tpu.memory_space<semaphore_mem>>)
      %dma_wait3A_67 = arith.constant 0 : i32
      %dma_wait3A_68 = arith.constant 0 : i32
      %dma_wait3A_69 = tpu.memref_slice %arg4[%add3A, %run_scoped3A, %dma_wait3A_67, %dma_wait3A_68] : memref<32x4x40x1024xf32, #tpu.memory_space<hbm>> -> memref<1x1x40x1024xf32, #tpu.memory_space<hbm>>
      %dma_wait3A_70 = tpu.memref_squeeze %dma_wait3A_69 : memref<1x1x40x1024xf32, #tpu.memory_space<hbm>> -> memref<40x1024xf32, #tpu.memory_space<hbm>>
      %dma_wait3A_71 = arith.constant 0 : i32
      %dma_wait3A_72 = arith.constant 0 : i32
      %dma_wait3A_73 = tpu.memref_slice %arg4[%add3A, %run_scoped3A, %dma_wait3A_71, %dma_wait3A_72] : memref<32x4x40x1024xf32, #tpu.memory_space<hbm>> -> memref<1x1x40x1024xf32, #tpu.memory_space<hbm>>
      %dma_wait3A_74 = tpu.memref_squeeze %dma_wait3A_73 : memref<1x1x40x1024xf32, #tpu.memory_space<hbm>> -> memref<40x1024xf32, #tpu.memory_space<hbm>>
      tpu.wait_dma2 semaphore(%run_scoped3A_58 : memref<!tpu.dma_semaphore, #tpu.memory_space<semaphore_mem>>) src(%arg6 : memref<40x1024xf32, #tpu.memory_space<vmem>>) dst(%dma_wait3A_74 : memref<40x1024xf32, #tpu.memory_space<hbm>>)
      tpu.yield
    }) : () -> ()
    %dma_start3A_20 = arith.constant 2 : i32
    %dma_start3A_21 = arith.constant 0 : i32
    %dma_start3A_22 = tpu.memref_slice %arg5[%dma_start3A_20, %dma_start3A_21] : memref<4x40xi32, #tpu.memory_space<vmem>> -> memref<1x40xi32, #tpu.memory_space<vmem>>
    %dma_start3A_23 = tpu.memref_squeeze %dma_start3A_22 : memref<1x40xi32, #tpu.memory_space<vmem>> -> memref<40xi32, #tpu.memory_space<vmem>>
    %dma_start3A_24 = arith.constant 0 : i32
    %dma_start3A_25 = arith.constant 0 : i32
    %dma_start3A_26 = tpu.memref_slice %arg2[%dma_start3A_24, %dma_start3A_25] : memref<4096x1024xf32, #tpu.memory_space<hbm>> -> memref<4096x1024xf32, #tpu.memory_space<hbm>>
    tpu.enqueue_indirect_dma source(%dma_start3A_26 : memref<4096x1024xf32, #tpu.memory_space<hbm>>) target(%arg6 : memref<40x1024xf32, #tpu.memory_space<vmem>>) offsets(%dma_start3A_23 : memref<40xi32, #tpu.memory_space<vmem>>) semaphore(%arg8 : memref<!tpu.dma_semaphore, #tpu.memory_space<semaphore_mem>>)
    %dma_wait3A_27 = arith.constant 1 : i32
    %dma_wait3A_28 = arith.constant 0 : i32
    %dma_wait3A_29 = tpu.memref_slice %arg5[%dma_wait3A_27, %dma_wait3A_28] : memref<4x40xi32, #tpu.memory_space<vmem>> -> memref<1x40xi32, #tpu.memory_space<vmem>>
    %dma_wait3A_30 = tpu.memref_squeeze %dma_wait3A_29 : memref<1x40xi32, #tpu.memory_space<vmem>> -> memref<40xi32, #tpu.memory_space<vmem>>
    %dma_wait3A_31 = arith.constant 0 : i32
    %dma_wait3A_32 = arith.constant 0 : i32
    %dma_wait3A_33 = tpu.memref_slice %arg2[%dma_wait3A_31, %dma_wait3A_32] : memref<4096x1024xf32, #tpu.memory_space<hbm>> -> memref<4096x1024xf32, #tpu.memory_space<hbm>>
    tpu.wait_indirect_dma semaphore(%arg9 : memref<!tpu.dma_semaphore, #tpu.memory_space<semaphore_mem>>) src(%dma_wait3A_33 : memref<4096x1024xf32, #tpu.memory_space<hbm>>) dst(%arg7 : memref<40x1024xf32, #tpu.memory_space<vmem>>)
    %run_scoped3A_34 = arith.constant 1 : i32
    "tpu.region"() ({
      %run_scoped3A_58 = tpu.sem_alloc : memref<!tpu.dma_semaphore, #tpu.memory_space<semaphore_mem>>
      %dma_start3A_59 = arith.constant 0 : i32
      %dma_start3A_60 = arith.constant 0 : i32
      %dma_start3A_61 = tpu.memref_slice %arg4[%add3A, %run_scoped3A_34, %dma_start3A_59, %dma_start3A_60] : memref<32x4x40x1024xf32, #tpu.memory_space<hbm>> -> memref<1x1x40x1024xf32, #tpu.memory_space<hbm>>
      %dma_start3A_62 = tpu.memref_squeeze %dma_start3A_61 : memref<1x1x40x1024xf32, #tpu.memory_space<hbm>> -> memref<40x1024xf32, #tpu.memory_space<hbm>>
      %dma_start3A_63 = arith.constant 0 : i32
      %dma_start3A_64 = arith.constant 0 : i32
      %dma_start3A_65 = tpu.memref_slice %arg4[%add3A, %run_scoped3A_34, %dma_start3A_63, %dma_start3A_64] : memref<32x4x40x1024xf32, #tpu.memory_space<hbm>> -> memref<1x1x40x1024xf32, #tpu.memory_space<hbm>>
      %dma_start3A_66 = tpu.memref_squeeze %dma_start3A_65 : memref<1x1x40x1024xf32, #tpu.memory_space<hbm>> -> memref<40x1024xf32, #tpu.memory_space<hbm>>
      tpu.enqueue_dma source(%arg7 : memref<40x1024xf32, #tpu.memory_space<vmem>>) target(%dma_start3A_66 : memref<40x1024xf32, #tpu.memory_space<hbm>>) target_semaphore(%run_scoped3A_58 : memref<!tpu.dma_semaphore, #tpu.memory_space<semaphore_mem>>)
      %dma_wait3A_67 = arith.constant 0 : i32
      %dma_wait3A_68 = arith.constant 0 : i32
      %dma_wait3A_69 = tpu.memref_slice %arg4[%add3A, %run_scoped3A_34, %dma_wait3A_67, %dma_wait3A_68] : memref<32x4x40x1024xf32, #tpu.memory_space<hbm>> -> memref<1x1x40x1024xf32, #tpu.memory_space<hbm>>
      %dma_wait3A_70 = tpu.memref_squeeze %dma_wait3A_69 : memref<1x1x40x1024xf32, #tpu.memory_space<hbm>> -> memref<40x1024xf32, #tpu.memory_space<hbm>>
      %dma_wait3A_71 = arith.constant 0 : i32
      %dma_wait3A_72 = arith.constant 0 : i32
      %dma_wait3A_73 = tpu.memref_slice %arg4[%add3A, %run_scoped3A_34, %dma_wait3A_71, %dma_wait3A_72] : memref<32x4x40x1024xf32, #tpu.memory_space<hbm>> -> memref<1x1x40x1024xf32, #tpu.memory_space<hbm>>
      %dma_wait3A_74 = tpu.memref_squeeze %dma_wait3A_73 : memref<1x1x40x1024xf32, #tpu.memory_space<hbm>> -> memref<40x1024xf32, #tpu.memory_space<hbm>>
      tpu.wait_dma2 semaphore(%run_scoped3A_58 : memref<!tpu.dma_semaphore, #tpu.memory_space<semaphore_mem>>) src(%arg7 : memref<40x1024xf32, #tpu.memory_space<vmem>>) dst(%dma_wait3A_74 : memref<40x1024xf32, #tpu.memory_space<hbm>>)
      tpu.yield
    }) : () -> ()
    %dma_start3A_35 = arith.constant 3 : i32
    %dma_start3A_36 = arith.constant 0 : i32
    %dma_start3A_37 = tpu.memref_slice %arg5[%dma_start3A_35, %dma_start3A_36] : memref<4x40xi32, #tpu.memory_space<vmem>> -> memref<1x40xi32, #tpu.memory_space<vmem>>
    %dma_start3A_38 = tpu.memref_squeeze %dma_start3A_37 : memref<1x40xi32, #tpu.memory_space<vmem>> -> memref<40xi32, #tpu.memory_space<vmem>>
    %dma_start3A_39 = arith.constant 0 : i32
    %dma_start3A_40 = arith.constant 0 : i32
    %dma_start3A_41 = tpu.memref_slice %arg2[%dma_start3A_39, %dma_start3A_40] : memref<4096x1024xf32, #tpu.memory_space<hbm>> -> memref<4096x1024xf32, #tpu.memory_space<hbm>>
    tpu.enqueue_indirect_dma source(%dma_start3A_41 : memref<4096x1024xf32, #tpu.memory_space<hbm>>) target(%arg7 : memref<40x1024xf32, #tpu.memory_space<vmem>>) offsets(%dma_start3A_38 : memref<40xi32, #tpu.memory_space<vmem>>) semaphore(%arg9 : memref<!tpu.dma_semaphore, #tpu.memory_space<semaphore_mem>>)
    %dma_wait3A_42 = arith.constant 2 : i32
    %dma_wait3A_43 = arith.constant 0 : i32
    %dma_wait3A_44 = tpu.memref_slice %arg5[%dma_wait3A_42, %dma_wait3A_43] : memref<4x40xi32, #tpu.memory_space<vmem>> -> memref<1x40xi32, #tpu.memory_space<vmem>>
    %dma_wait3A_45 = tpu.memref_squeeze %dma_wait3A_44 : memref<1x40xi32, #tpu.memory_space<vmem>> -> memref<40xi32, #tpu.memory_space<vmem>>
    %dma_wait3A_46 = arith.constant 0 : i32
    %dma_wait3A_47 = arith.constant 0 : i32
    %dma_wait3A_48 = tpu.memref_slice %arg2[%dma_wait3A_46, %dma_wait3A_47] : memref<4096x1024xf32, #tpu.memory_space<hbm>> -> memref<4096x1024xf32, #tpu.memory_space<hbm>>
    tpu.wait_indirect_dma semaphore(%arg8 : memref<!tpu.dma_semaphore, #tpu.memory_space<semaphore_mem>>) src(%dma_wait3A_48 : memref<4096x1024xf32, #tpu.memory_space<hbm>>) dst(%arg6 : memref<40x1024xf32, #tpu.memory_space<vmem>>)
    %run_scoped3A_49 = arith.constant 2 : i32
    "tpu.region"() ({
      %run_scoped3A_58 = tpu.sem_alloc : memref<!tpu.dma_semaphore, #tpu.memory_space<semaphore_mem>>
      %dma_start3A_59 = arith.constant 0 : i32
      %dma_start3A_60 = arith.constant 0 : i32
      %dma_start3A_61 = tpu.memref_slice %arg4[%add3A, %run_scoped3A_49, %dma_start3A_59, %dma_start3A_60] : memref<32x4x40x1024xf32, #tpu.memory_space<hbm>> -> memref<1x1x40x1024xf32, #tpu.memory_space<hbm>>
      %dma_start3A_62 = tpu.memref_squeeze %dma_start3A_61 : memref<1x1x40x1024xf32, #tpu.memory_space<hbm>> -> memref<40x1024xf32, #tpu.memory_space<hbm>>
      %dma_start3A_63 = arith.constant 0 : i32
      %dma_start3A_64 = arith.constant 0 : i32
      %dma_start3A_65 = tpu.memref_slice %arg4[%add3A, %run_scoped3A_49, %dma_start3A_63, %dma_start3A_64] : memref<32x4x40x1024xf32, #tpu.memory_space<hbm>> -> memref<1x1x40x1024xf32, #tpu.memory_space<hbm>>
      %dma_start3A_66 = tpu.memref_squeeze %dma_start3A_65 : memref<1x1x40x1024xf32, #tpu.memory_space<hbm>> -> memref<40x1024xf32, #tpu.memory_space<hbm>>
      tpu.enqueue_dma source(%arg6 : memref<40x1024xf32, #tpu.memory_space<vmem>>) target(%dma_start3A_66 : memref<40x1024xf32, #tpu.memory_space<hbm>>) target_semaphore(%run_scoped3A_58 : memref<!tpu.dma_semaphore, #tpu.memory_space<semaphore_mem>>)
      %dma_wait3A_67 = arith.constant 0 : i32
      %dma_wait3A_68 = arith.constant 0 : i32
      %dma_wait3A_69 = tpu.memref_slice %arg4[%add3A, %run_scoped3A_49, %dma_wait3A_67, %dma_wait3A_68] : memref<32x4x40x1024xf32, #tpu.memory_space<hbm>> -> memref<1x1x40x1024xf32, #tpu.memory_space<hbm>>
      %dma_wait3A_70 = tpu.memref_squeeze %dma_wait3A_69 : memref<1x1x40x1024xf32, #tpu.memory_space<hbm>> -> memref<40x1024xf32, #tpu.memory_space<hbm>>
      %dma_wait3A_71 = arith.constant 0 : i32
      %dma_wait3A_72 = arith.constant 0 : i32
      %dma_wait3A_73 = tpu.memref_slice %arg4[%add3A, %run_scoped3A_49, %dma_wait3A_71, %dma_wait3A_72] : memref<32x4x40x1024xf32, #tpu.memory_space<hbm>> -> memref<1x1x40x1024xf32, #tpu.memory_space<hbm>>
      %dma_wait3A_74 = tpu.memref_squeeze %dma_wait3A_73 : memref<1x1x40x1024xf32, #tpu.memory_space<hbm>> -> memref<40x1024xf32, #tpu.memory_space<hbm>>
      tpu.wait_dma2 semaphore(%run_scoped3A_58 : memref<!tpu.dma_semaphore, #tpu.memory_space<semaphore_mem>>) src(%arg6 : memref<40x1024xf32, #tpu.memory_space<vmem>>) dst(%dma_wait3A_74 : memref<40x1024xf32, #tpu.memory_space<hbm>>)
      tpu.yield
    }) : () -> ()
    %dma_wait3A_50 = arith.constant 3 : i32
    %dma_wait3A_51 = arith.constant 0 : i32
    %dma_wait3A_52 = tpu.memref_slice %arg5[%dma_wait3A_50, %dma_wait3A_51] : memref<4x40xi32, #tpu.memory_space<vmem>> -> memref<1x40xi32, #tpu.memory_space<vmem>>
    %dma_wait3A_53 = tpu.memref_squeeze %dma_wait3A_52 : memref<1x40xi32, #tpu.memory_space<vmem>> -> memref<40xi32, #tpu.memory_space<vmem>>
    %dma_wait3A_54 = arith.constant 0 : i32
    %dma_wait3A_55 = arith.constant 0 : i32
    %dma_wait3A_56 = tpu.memref_slice %arg2[%dma_wait3A_54, %dma_wait3A_55] : memref<4096x1024xf32, #tpu.memory_space<hbm>> -> memref<4096x1024xf32, #tpu.memory_space<hbm>>
    tpu.wait_indirect_dma semaphore(%arg9 : memref<!tpu.dma_semaphore, #tpu.memory_space<semaphore_mem>>) src(%dma_wait3A_56 : memref<4096x1024xf32, #tpu.memory_space<hbm>>) dst(%arg7 : memref<40x1024xf32, #tpu.memory_space<vmem>>)
    %run_scoped3A_57 = arith.constant 3 : i32
    "tpu.region"() ({
      %run_scoped3A_58 = tpu.sem_alloc : memref<!tpu.dma_semaphore, #tpu.memory_space<semaphore_mem>>
      %dma_start3A_59 = arith.constant 0 : i32
      %dma_start3A_60 = arith.constant 0 : i32
      %dma_start3A_61 = tpu.memref_slice %arg4[%add3A, %run_scoped3A_57, %dma_start3A_59, %dma_start3A_60] : memref<32x4x40x1024xf32, #tpu.memory_space<hbm>> -> memref<1x1x40x1024xf32, #tpu.memory_space<hbm>>
      %dma_start3A_62 = tpu.memref_squeeze %dma_start3A_61 : memref<1x1x40x1024xf32, #tpu.memory_space<hbm>> -> memref<40x1024xf32, #tpu.memory_space<hbm>>
      %dma_start3A_63 = arith.constant 0 : i32
      %dma_start3A_64 = arith.constant 0 : i32
      %dma_start3A_65 = tpu.memref_slice %arg4[%add3A, %run_scoped3A_57, %dma_start3A_63, %dma_start3A_64] : memref<32x4x40x1024xf32, #tpu.memory_space<hbm>> -> memref<1x1x40x1024xf32, #tpu.memory_space<hbm>>
      %dma_start3A_66 = tpu.memref_squeeze %dma_start3A_65 : memref<1x1x40x1024xf32, #tpu.memory_space<hbm>> -> memref<40x1024xf32, #tpu.memory_space<hbm>>
      tpu.enqueue_dma source(%arg7 : memref<40x1024xf32, #tpu.memory_space<vmem>>) target(%dma_start3A_66 : memref<40x1024xf32, #tpu.memory_space<hbm>>) target_semaphore(%run_scoped3A_58 : memref<!tpu.dma_semaphore, #tpu.memory_space<semaphore_mem>>)
      %dma_wait3A_67 = arith.constant 0 : i32
      %dma_wait3A_68 = arith.constant 0 : i32
      %dma_wait3A_69 = tpu.memref_slice %arg4[%add3A, %run_scoped3A_57, %dma_wait3A_67, %dma_wait3A_68] : memref<32x4x40x1024xf32, #tpu.memory_space<hbm>> -> memref<1x1x40x1024xf32, #tpu.memory_space<hbm>>
      %dma_wait3A_70 = tpu.memref_squeeze %dma_wait3A_69 : memref<1x1x40x1024xf32, #tpu.memory_space<hbm>> -> memref<40x1024xf32, #tpu.memory_space<hbm>>
      %dma_wait3A_71 = arith.constant 0 : i32
      %dma_wait3A_72 = arith.constant 0 : i32
      %dma_wait3A_73 = tpu.memref_slice %arg4[%add3A, %run_scoped3A_57, %dma_wait3A_71, %dma_wait3A_72] : memref<32x4x40x1024xf32, #tpu.memory_space<hbm>> -> memref<1x1x40x1024xf32, #tpu.memory_space<hbm>>
      %dma_wait3A_74 = tpu.memref_squeeze %dma_wait3A_73 : memref<1x1x40x1024xf32, #tpu.memory_space<hbm>> -> memref<40x1024xf32, #tpu.memory_space<hbm>>
      tpu.wait_dma2 semaphore(%run_scoped3A_58 : memref<!tpu.dma_semaphore, #tpu.memory_space<semaphore_mem>>) src(%arg7 : memref<40x1024xf32, #tpu.memory_space<vmem>>) dst(%dma_wait3A_74 : memref<40x1024xf32, #tpu.memory_space<hbm>>)
      tpu.yield
    }) : () -> ()
    return
  }
}

module attributes {stable_mosaic.version = 14 : i64} {
  func.func @_scores_body(%arg0: i32, %arg1: memref<256x1024xbf16, #tpu.memory_space<vmem>>, %arg2: memref<1024x4096xbf16, #tpu.memory_space<vmem>>, %arg3: memref<4096x128xbf16, #tpu.memory_space<vmem>>, %arg4: memref<128x1x256xf32, #tpu.memory_space<vmem>>, %arg5: memref<8x128xf32, #tpu.memory_space<vmem>>) attributes {dimension_semantics = [#tpu.dimension_semantics<arbitrary>], iteration_bounds = array<i64: 16>, scalar_prefetch = 0 : i64, scratch_operands = 0 : i64, tpu.core_type = #tpu.core_type<tc>, window_params = [{transform_indices = @transform_0, window_bounds = array<i64: 256, 1024>}, {pipeline_mode = #tpu.pipeline_mode<synchronous>, transform_indices = @transform_1, window_bounds = array<i64: 1024, 4096>}, {pipeline_mode = #tpu.pipeline_mode<synchronous>, transform_indices = @transform_2, window_bounds = array<i64: 4096, 128>}, {transform_indices = @transform_3, window_bounds = array<i64: 128, 1, 256>}, {pipeline_mode = #tpu.pipeline_mode<synchronous>, transform_indices = @transform_4, window_bounds = array<i64: 8, 128>}]} {
    %get3A = arith.constant 0 : index
    %get3A_0 = arith.constant 0 : index
    %get3A_1 = vector.load %arg1[%get3A, %get3A_0] : memref<256x1024xbf16, #tpu.memory_space<vmem>>, vector<256x1024xbf16>
    %get3A_2 = arith.constant 0 : index
    %get3A_3 = arith.constant 0 : index
    %get3A_4 = vector.load %arg2[%get3A_2, %get3A_3] : memref<1024x4096xbf16, #tpu.memory_space<vmem>>, vector<1024x4096xbf16>
    %dot_general3A = arith.constant dense<0.000000e+00> : vector<256x4096xf32>
    %dot_general3A_5 = tpu.matmul %get3A_1, %get3A_4, %dot_general3A {dimension_numbers = #tpu.dot_dimension_numbers<[1], [0], [0], [1], [0, 0, 1, 1], [], []>, transpose_lhs_hint = false} : vector<256x1024xbf16>, vector<1024x4096xbf16>, vector<256x4096xf32> -> vector<256x4096xf32>
    %max3A = arith.constant 0.000000e+00 : f32
    %max3A_6 = vector.broadcast %max3A : f32 to vector<256x4096xf32>
    %max3A_7 = arith.maximumf %dot_general3A_5, %max3A_6 : vector<256x4096xf32>
    %convert_element_type3A = arith.truncf %max3A_7 : vector<256x4096xf32> to vector<256x4096xbf16>
    %get3A_8 = arith.constant 0 : index
    %get3A_9 = arith.constant 0 : index
    %get3A_10 = vector.load %arg3[%get3A_8, %get3A_9] : memref<4096x128xbf16, #tpu.memory_space<vmem>>, vector<4096x128xbf16>
    %dot_general3A_11 = arith.constant dense<0.000000e+00> : vector<256x128xf32>
    %dot_general3A_12 = tpu.matmul %convert_element_type3A, %get3A_10, %dot_general3A_11 {dimension_numbers = #tpu.dot_dimension_numbers<[1], [0], [0], [1], [0, 0, 1, 1], [], []>, transpose_lhs_hint = false} : vector<256x4096xbf16>, vector<4096x128xbf16>, vector<256x128xf32> -> vector<256x128xf32>
    %transpose3A = tpu.transpose %dot_general3A_12, [1, 0] : vector<256x128xf32> -> vector<128x256xf32>
    %swap3A = arith.constant 0 : index
    %swap3A_13 = arith.constant 0 : index
    %swap3A_14 = arith.constant 0 : index
    %swap3A_15 = vector.load %arg4[%swap3A, %swap3A_13, %swap3A_14] : memref<128x1x256xf32, #tpu.memory_space<vmem>>, vector<128x1x256xf32>
    %swap3A_16 = vector.shape_cast %swap3A_15 : vector<128x1x256xf32> to vector<128x256xf32>
    %swap3A_17 = vector.shape_cast %transpose3A : vector<128x256xf32> to vector<128x1x256xf32>
    tpu.vector_store %arg4[%swap3A, %swap3A_13, %swap3A_14], %swap3A_17 {strides = array<i32>} : memref<128x1x256xf32, #tpu.memory_space<vmem>>, vector<128x1x256xf32>,
    %iota3A = tpu.iota {dimensions = array<i32: 1>} : vector<256x128xi32>
    %lt3A = arith.constant 8 : i32
    %lt3A_18 = vector.broadcast %lt3A : i32 to vector<256x128xi32>
    %lt3A_19 = arith.cmpi slt, %iota3A, %lt3A_18 : vector<256x128xi32>
    %jit3A = arith.constant -1.000000e+30 : f32
    %broadcast_in_dim3A = vector.broadcast %jit3A : f32 to vector<256x128xf32>
    %select_n3A = arith.select %lt3A_19, %dot_general3A_12, %broadcast_in_dim3A : vector<256x128xi1>, vector<256x128xf32>
    %reduce_max3A = arith.constant dense<0xFF800000> : vector<256xf32>
    %reduce_max3A_20 = vector.multi_reduction <maximumf>, %select_n3A, %reduce_max3A [1] : vector<256x128xf32> to vector<256xf32>
    %broadcast_in_dim3A_21 = vector.shape_cast %reduce_max3A_20 : vector<256xf32> to vector<256x1xf32>
    %sub3A = vector.broadcast %broadcast_in_dim3A_21 : vector<256x1xf32> to vector<256x128xf32>
    %sub3A_22 = arith.subf %select_n3A, %sub3A : vector<256x128xf32>
    %exp3A = math.exp %sub3A_22 : vector<256x128xf32>
    %reduce_sum3A = arith.constant dense<0.000000e+00> : vector<256xf32>
    %reduce_sum3A_23 = vector.multi_reduction <add>, %exp3A, %reduce_sum3A [1] : vector<256x128xf32> to vector<256xf32>
    %broadcast_in_dim3A_24 = vector.shape_cast %reduce_sum3A_23 : vector<256xf32> to vector<256x1xf32>
    %div3A = vector.broadcast %broadcast_in_dim3A_24 : vector<256x1xf32> to vector<256x128xf32>
    %div3A_25 = arith.divf %exp3A, %div3A : vector<256x128xf32>
    %reduce_sum3A_26 = arith.constant dense<0.000000e+00> : vector<128xf32>
    %reduce_sum3A_27 = vector.multi_reduction <add>, %div3A_25, %reduce_sum3A_26 [0] : vector<256x128xf32> to vector<128xf32>
    %eq3A = arith.constant 0 : i32
    %eq3A_28 = arith.cmpi eq, %arg0, %eq3A : i32
    %convert_element_type3A_29 = arith.extui %eq3A_28 : i1 to i32
    %cond3A = arith.constant 0 : i32
    %cond3A_30 = arith.cmpi ne, %convert_element_type3A_29, %cond3A : i32
    scf.if %cond3A_30 {
      %broadcast_in_dim3A_39 = arith.constant 0.000000e+00 : f32
      %broadcast_in_dim3A_40 = vector.broadcast %broadcast_in_dim3A_39 : f32 to vector<8x128xf32>
      %swap3A_41 = arith.constant 0 : index
      %swap3A_42 = arith.constant 0 : index
      %swap3A_43 = vector.load %arg5[%swap3A_41, %swap3A_42] : memref<8x128xf32, #tpu.memory_space<vmem>>, vector<8x128xf32>
      tpu.vector_store %arg5[%swap3A_41, %swap3A_42], %broadcast_in_dim3A_40 {strides = array<i32>} : memref<8x128xf32, #tpu.memory_space<vmem>>, vector<8x128xf32>,
    } else {
    }
    %get3A_31 = arith.constant 0 : index
    %get3A_32 = arith.constant 0 : index
    %get3A_33 = vector.load %arg5[%get3A_31, %get3A_32] : memref<8x128xf32, #tpu.memory_space<vmem>>, vector<8x128xf32>
    %broadcast_in_dim3A_34 = vector.shape_cast %reduce_sum3A_27 : vector<128xf32> to vector<1x128xf32>
    %add3A = vector.broadcast %broadcast_in_dim3A_34 : vector<1x128xf32> to vector<8x128xf32>
    %add3A_35 = arith.addf %get3A_33, %add3A : vector<8x128xf32>
    %swap3A_36 = arith.constant 0 : index
    %swap3A_37 = arith.constant 0 : index
    %swap3A_38 = vector.load %arg5[%swap3A_36, %swap3A_37] : memref<8x128xf32, #tpu.memory_space<vmem>>, vector<8x128xf32>
    tpu.vector_store %arg5[%swap3A_36, %swap3A_37], %add3A_35 {strides = array<i32>} : memref<8x128xf32, #tpu.memory_space<vmem>>, vector<8x128xf32>,
    return
  }
  func.func @transform_0(%arg0: i32) -> (i32, i32) {
    %c0_i32 = arith.constant 0 : i32
    %c0_i32_0 = arith.constant 0 : i32
    return %arg0, %c0_i32 : i32, i32
  }
  func.func @transform_1(%arg0: i32) -> (i32, i32) {
    %c0_i32 = arith.constant 0 : i32
    %c0_i32_0 = arith.constant 0 : i32
    %c0_i32_1 = arith.constant 0 : i32
    return %c0_i32, %c0_i32_0 : i32, i32
  }
  func.func @transform_2(%arg0: i32) -> (i32, i32) {
    %c0_i32 = arith.constant 0 : i32
    %c0_i32_0 = arith.constant 0 : i32
    %c0_i32_1 = arith.constant 0 : i32
    return %c0_i32, %c0_i32_0 : i32, i32
  }
  func.func @transform_3(%arg0: i32) -> (i32, i32, i32) {
    %c0_i32 = arith.constant 0 : i32
    %c0_i32_0 = arith.constant 0 : i32
    %c0_i32_1 = arith.constant 0 : i32
    return %c0_i32, %c0_i32_0, %arg0 : i32, i32, i32
  }
  func.func @transform_4(%arg0: i32) -> (i32, i32) {
    %c0_i32 = arith.constant 0 : i32
    %c0_i32_0 = arith.constant 0 : i32
    %c0_i32_1 = arith.constant 0 : i32
    return %c0_i32, %c0_i32_0 : i32, i32
  }
}

module attributes {stable_mosaic.version = 14 : i64} {
  func.func @_topk_body(%arg0: i32, %arg1: memref<32x1x128xf32, #tpu.memory_space<vmem>>, %arg2: memref<1x1x640xf32, #tpu.memory_space<vmem>>, %arg3: memref<1x1x640xi32, #tpu.memory_space<vmem>>) attributes {dimension_semantics = [#tpu.dimension_semantics<arbitrary>], iteration_bounds = array<i64: 8>, scalar_prefetch = 0 : i64, scratch_operands = 0 : i64, tpu.core_type = #tpu.core_type<tc>, window_params = [{transform_indices = @transform_0, window_bounds = array<i64: 32, 1, 128>}, {transform_indices = @transform_1, window_bounds = array<i64: 1, 1, 640>}, {transform_indices = @transform_2, window_bounds = array<i64: 1, 1, 640>}]} {
    %get3A = arith.constant 0 : index
    %get3A_0 = arith.constant 0 : index
    %get3A_1 = arith.constant 0 : index
    %get3A_2 = vector.load %arg1[%get3A, %get3A_0, %get3A_1] : memref<32x1x128xf32, #tpu.memory_space<vmem>>, vector<32x1x128xf32>
    %get3A_3 = vector.shape_cast %get3A_2 : vector<32x1x128xf32> to vector<32x128xf32>
    %bitcast_convert_type3A = tpu.bitcast %get3A_3 : vector<32x128xf32> -> vector<32x128xi32>
    %shift_right_arithmetic3A = arith.constant 31 : i32
    %shift_right_arithmetic3A_4 = vector.broadcast %shift_right_arithmetic3A : i32 to vector<32x128xi32>
    %shift_right_arithmetic3A_5 = arith.shrsi %bitcast_convert_type3A, %shift_right_arithmetic3A_4 : vector<32x128xi32>
    %and3A = arith.constant 2147483647 : i32
    %and3A_6 = vector.broadcast %and3A : i32 to vector<32x128xi32>
    %and3A_7 = arith.andi %shift_right_arithmetic3A_5, %and3A_6 : vector<32x128xi32>
    %xor3A = arith.xori %bitcast_convert_type3A, %and3A_7 : vector<32x128xi32>
    %bitcast_convert_type3A_8 = tpu.bitcast %xor3A : vector<32x128xi32> -> vector<32x128xi32>
    %xor3A_9 = arith.constant -2147483648 : i32
    %xor3A_10 = vector.broadcast %xor3A_9 : i32 to vector<32x128xi32>
    %xor3A_11 = arith.xori %bitcast_convert_type3A_8, %xor3A_10 : vector<32x128xi32>
    %scan3A = arith.constant 0 : i32
    %scan3A_12 = arith.constant 0 : i32
    %scan3A_13 = arith.constant 32 : i32
    %scan3A_14 = arith.addi %scan3A_12, %scan3A_13 : i32
    %scan3A_15 = arith.constant 1 : i32
    %scan3A_16 = scf.for %scan3A_919 = %scan3A_12 to %scan3A_14 step %scan3A_15 iter_args(%scan3A_920 = %scan3A) -> (i32)  : i32 {
      %sub3A_921 = arith.constant 31 : i32
      %sub3A_922 = arith.subi %sub3A_921, %scan3A_919 : i32
      %shift_left3A = arith.constant 1 : i32
      %shift_left3A_923 = arith.shli %shift_left3A, %sub3A_922 : i32
      %or3A_924 = arith.ori %scan3A_920, %shift_left3A_923 : i32
      %ge3A = vector.broadcast %or3A_924 : i32 to vector<32x128xi32>
      %ge3A_925 = arith.cmpi uge, %xor3A_11, %ge3A : vector<32x128xi32>
      %convert_element_type3A_926 = arith.extui %ge3A_925 : vector<32x128xi1> to vector<32x128xi32>
      %reduce_sum3A_927 = vector.shape_cast %convert_element_type3A_926 : vector<32x128xi32> to vector<1x32x128xi32>
      %reduce_sum3A_928 = arith.constant dense<0> : vector<1xi32>
      %reduce_sum3A_929 = vector.multi_reduction <add>, %reduce_sum3A_927, %reduce_sum3A_928 [1, 2] : vector<1x32x128xi32> to vector<1xi32>
      %reduce_sum3A_930 = vector.shape_cast %reduce_sum3A_929 : vector<1xi32> to vector<1x1x1xi32>
      %reduce_sum3A_931 = vector.extract %reduce_sum3A_930[0, 0, 0] : i32 from vector<1x1x1xi32>
      %ge3A_932 = arith.constant 640 : i32
      %ge3A_933 = arith.cmpi sge, %reduce_sum3A_931, %ge3A_932 : i32
      %select_n3A_934 = arith.select %ge3A_933, %or3A_924, %scan3A_920 : i32
      scf.yield %select_n3A_934 : i32
    }
    %scan3A_17 = arith.constant 32 : i32
    %gt3A = vector.broadcast %scan3A_16 : i32 to vector<32x128xi32>
    %gt3A_18 = arith.cmpi ugt, %xor3A_11, %gt3A : vector<32x128xi32>
    %eq3A = vector.broadcast %scan3A_16 : i32 to vector<32x128xi32>
    %eq3A_19 = arith.cmpi eq, %xor3A_11, %eq3A : vector<32x128xi32>
    %convert_element_type3A = arith.extui %gt3A_18 : vector<32x128xi1> to vector<32x128xi32>
    %reduce_sum3A = vector.shape_cast %convert_element_type3A : vector<32x128xi32> to vector<1x32x128xi32>
    %reduce_sum3A_20 = arith.constant dense<0> : vector<1xi32>
    %reduce_sum3A_21 = vector.multi_reduction <add>, %reduce_sum3A, %reduce_sum3A_20 [1, 2] : vector<1x32x128xi32> to vector<1xi32>
    %reduce_sum3A_22 = vector.shape_cast %reduce_sum3A_21 : vector<1xi32> to vector<1x1x1xi32>
    %reduce_sum3A_23 = vector.extract %reduce_sum3A_22[0, 0, 0] : i32 from vector<1x1x1xi32>
    %convert_element_type3A_24 = arith.sitofp %reduce_sum3A_23 : i32 to f32
    %iota3A = tpu.iota {dimensions = array<i32: 0>} : vector<128x128xi32>
    %iota3A_25 = tpu.iota {dimensions = array<i32: 1>} : vector<128x128xi32>
    %le3A = arith.cmpi sle, %iota3A, %iota3A_25 : vector<128x128xi32>
    %convert_element_type3A_26 = arith.extui %le3A : vector<128x128xi1> to vector<128x128xi32>
    %convert_element_type3A_27 = arith.sitofp %convert_element_type3A_26 : vector<128x128xi32> to vector<128x128xf32>
    %convert_element_type3A_28 = arith.truncf %convert_element_type3A_27 : vector<128x128xf32> to vector<128x128xbf16>
    %iota3A_29 = tpu.iota {dimensions = array<i32: 0>} : vector<32x32xi32>
    %iota3A_30 = tpu.iota {dimensions = array<i32: 1>} : vector<32x32xi32>
    %lt3A = arith.cmpi slt, %iota3A_30, %iota3A_29 : vector<32x32xi32>
    %convert_element_type3A_31 = arith.extui %lt3A : vector<32x32xi1> to vector<32x32xi32>
    %convert_element_type3A_32 = arith.sitofp %convert_element_type3A_31 : vector<32x32xi32> to vector<32x32xf32>
    %convert_element_type3A_33 = arith.truncf %convert_element_type3A_32 : vector<32x32xf32> to vector<32x32xbf16>
    %convert_element_type3A_34 = arith.extui %eq3A_19 : vector<32x128xi1> to vector<32x128xi32>
    %convert_element_type3A_35 = arith.sitofp %convert_element_type3A_34 : vector<32x128xi32> to vector<32x128xf32>
    %convert_element_type3A_36 = arith.truncf %convert_element_type3A_35 : vector<32x128xf32> to vector<32x128xbf16>
    %dot_general3A = arith.constant dense<0.000000e+00> : vector<32x128xf32>
    %dot_general3A_37 = tpu.matmul %convert_element_type3A_36, %convert_element_type3A_28, %dot_general3A {dimension_numbers = #tpu.dot_dimension_numbers<[1], [0], [0], [1], [0, 0, 1, 1], [], []>, transpose_lhs_hint = false} : vector<32x128xbf16>, vector<128x128xbf16>, vector<32x128xf32> -> vector<32x128xf32>
    %slice3A = vector.extract_strided_slice %dot_general3A_37 {offsets = [0, 127], sizes = [32, 1], strides = [1, 1]} : vector<32x128xf32> to vector<32x1xf32>
    %convert_element_type3A_38 = arith.truncf %slice3A : vector<32x1xf32> to vector<32x1xbf16>
    %dot_general3A_39 = arith.constant dense<0.000000e+00> : vector<32x1xf32>
    %dot_general3A_40 = tpu.matmul %convert_element_type3A_33, %convert_element_type3A_38, %dot_general3A_39 {dimension_numbers = #tpu.dot_dimension_numbers<[1], [0], [0], [1], [0, 0, 1, 1], [], []>, transpose_lhs_hint = false} : vector<32x32xbf16>, vector<32x1xbf16>, vector<32x1xf32> -> vector<32x1xf32>
    %add3A = vector.broadcast %dot_general3A_40 : vector<32x1xf32> to vector<32x128xf32>
    %add3A_41 = arith.addf %dot_general3A_37, %add3A : vector<32x128xf32>
    %add3A_42 = vector.broadcast %convert_element_type3A_24 : f32 to vector<32x128xf32>
    %add3A_43 = arith.addf %add3A_42, %add3A_41 : vector<32x128xf32>
    %le3A_44 = arith.constant 6.400000e+02 : f32
    %le3A_45 = vector.broadcast %le3A_44 : f32 to vector<32x128xf32>
    %le3A_46 = arith.cmpf ole, %add3A_43, %le3A_45 : vector<32x128xf32>
    %and3A_47 = arith.andi %eq3A_19, %le3A_46 : vector<32x128xi1>
    %or3A = arith.ori %gt3A_18, %and3A_47 : vector<32x128xi1>
    %convert_element_type3A_48 = arith.extui %or3A : vector<32x128xi1> to vector<32x128xi32>
    %convert_element_type3A_49 = arith.sitofp %convert_element_type3A_48 : vector<32x128xi32> to vector<32x128xf32>
    %convert_element_type3A_50 = arith.truncf %convert_element_type3A_49 : vector<32x128xf32> to vector<32x128xbf16>
    %dot_general3A_51 = arith.constant dense<0.000000e+00> : vector<32x128xf32>
    %dot_general3A_52 = tpu.matmul %convert_element_type3A_50, %convert_element_type3A_28, %dot_general3A_51 {dimension_numbers = #tpu.dot_dimension_numbers<[1], [0], [0], [1], [0, 0, 1, 1], [], []>, transpose_lhs_hint = false} : vector<32x128xbf16>, vector<128x128xbf16>, vector<32x128xf32> -> vector<32x128xf32>
    %slice3A_53 = vector.extract_strided_slice %dot_general3A_52 {offsets = [0, 127], sizes = [32, 1], strides = [1, 1]} : vector<32x128xf32> to vector<32x1xf32>
    %convert_element_type3A_54 = arith.truncf %slice3A_53 : vector<32x1xf32> to vector<32x1xbf16>
    %dot_general3A_55 = arith.constant dense<0.000000e+00> : vector<32x1xf32>
    %dot_general3A_56 = tpu.matmul %convert_element_type3A_33, %convert_element_type3A_54, %dot_general3A_55 {dimension_numbers = #tpu.dot_dimension_numbers<[1], [0], [0], [1], [0, 0, 1, 1], [], []>, transpose_lhs_hint = false} : vector<32x32xbf16>, vector<32x1xbf16>, vector<32x1xf32> -> vector<32x1xf32>
    %add3A_57 = vector.broadcast %dot_general3A_56 : vector<32x1xf32> to vector<32x128xf32>
    %add3A_58 = arith.addf %dot_general3A_52, %add3A_57 : vector<32x128xf32>
    %sub3A = arith.constant 1.000000e+00 : f32
    %sub3A_59 = vector.broadcast %sub3A : f32 to vector<32x128xf32>
    %sub3A_60 = arith.subf %add3A_58, %sub3A_59 : vector<32x128xf32>
    %iota3A_61 = tpu.iota {dimensions = array<i32: 0>} : vector<640x1xi32>
    %convert_element_type3A_62 = arith.sitofp %iota3A_61 : vector<640x1xi32> to vector<640x1xf32>
    %broadcast_in_dim3A = arith.constant 0.000000e+00 : f32
    %broadcast_in_dim3A_63 = vector.broadcast %broadcast_in_dim3A : f32 to vector<640x128xf32>
    %broadcast_in_dim3A_64 = arith.constant 0.000000e+00 : f32
    %broadcast_in_dim3A_65 = vector.broadcast %broadcast_in_dim3A_64 : f32 to vector<640x128xf32>
    %slice3A_66 = vector.extract_strided_slice %sub3A_60 {offsets = [0, 0], sizes = [1, 128], strides = [1, 1]} : vector<32x128xf32> to vector<1x128xf32>
    %slice3A_67 = vector.extract_strided_slice %or3A {offsets = [0, 0], sizes = [1, 128], strides = [1, 1]} : vector<32x128xi1> to vector<1x128xi1>
    %slice3A_68 = vector.extract_strided_slice %get3A_3 {offsets = [0, 0], sizes = [1, 128], strides = [1, 1]} : vector<32x128xf32> to vector<1x128xf32>
    %iota3A_69 = tpu.iota {dimensions = array<i32: 1>} : vector<1x128xi32>
    %add3A_70 = arith.constant 0 : i32
    %add3A_71 = vector.broadcast %add3A_70 : i32 to vector<1x128xi32>
    %add3A_72 = arith.addi %iota3A_69, %add3A_71 : vector<1x128xi32>
    %convert_element_type3A_73 = arith.sitofp %add3A_72 : vector<1x128xi32> to vector<1x128xf32>
    %eq3A_74 = vector.broadcast %slice3A_66 : vector<1x128xf32> to vector<640x128xf32>
    %eq3A_75 = vector.broadcast %convert_element_type3A_62 : vector<640x1xf32> to vector<640x128xf32>
    %eq3A_76 = arith.cmpf oeq, %eq3A_74, %eq3A_75 : vector<640x128xf32>
    %and3A_77 = vector.broadcast %slice3A_67 : vector<1x128xi1> to vector<640x128xi1>
    %and3A_78 = arith.andi %eq3A_76, %and3A_77 : vector<640x128xi1>
    %jit3A = arith.constant 0.000000e+00 : f32
    %broadcast_in_dim3A_79 = vector.shape_cast %slice3A_68 : vector<1x128xf32> to vector<1x128xf32>
    %broadcast_in_dim3A_80 = vector.broadcast %broadcast_in_dim3A_79 : vector<1x128xf32> to vector<640x128xf32>
    %broadcast_in_dim3A_81 = vector.broadcast %jit3A : f32 to vector<640x128xf32>
    %select_n3A = arith.select %and3A_78, %broadcast_in_dim3A_80, %broadcast_in_dim3A_81 : vector<640x128xi1>, vector<640x128xf32>
    %add3A_82 = arith.addf %broadcast_in_dim3A_63, %select_n3A : vector<640x128xf32>
    %jit3A_83 = arith.constant 0.000000e+00 : f32
    %broadcast_in_dim3A_84 = vector.shape_cast %convert_element_type3A_73 : vector<1x128xf32> to vector<1x128xf32>
    %broadcast_in_dim3A_85 = vector.broadcast %broadcast_in_dim3A_84 : vector<1x128xf32> to vector<640x128xf32>
    %broadcast_in_dim3A_86 = vector.broadcast %jit3A_83 : f32 to vector<640x128xf32>
    %select_n3A_87 = arith.select %and3A_78, %broadcast_in_dim3A_85, %broadcast_in_dim3A_86 : vector<640x128xi1>, vector<640x128xf32>
    %add3A_88 = arith.addf %broadcast_in_dim3A_65, %select_n3A_87 : vector<640x128xf32>
    %slice3A_89 = vector.extract_strided_slice %sub3A_60 {offsets = [1, 0], sizes = [1, 128], strides = [1, 1]} : vector<32x128xf32> to vector<1x128xf32>
    %slice3A_90 = vector.extract_strided_slice %or3A {offsets = [1, 0], sizes = [1, 128], strides = [1, 1]} : vector<32x128xi1> to vector<1x128xi1>
    %slice3A_91 = vector.extract_strided_slice %get3A_3 {offsets = [1, 0], sizes = [1, 128], strides = [1, 1]} : vector<32x128xf32> to vector<1x128xf32>
    %iota3A_92 = tpu.iota {dimensions = array<i32: 1>} : vector<1x128xi32>
    %add3A_93 = arith.constant 128 : i32
    %add3A_94 = vector.broadcast %add3A_93 : i32 to vector<1x128xi32>
    %add3A_95 = arith.addi %iota3A_92, %add3A_94 : vector<1x128xi32>
    %convert_element_type3A_96 = arith.sitofp %add3A_95 : vector<1x128xi32> to vector<1x128xf32>
    %eq3A_97 = vector.broadcast %slice3A_89 : vector<1x128xf32> to vector<640x128xf32>
    %eq3A_98 = vector.broadcast %convert_element_type3A_62 : vector<640x1xf32> to vector<640x128xf32>
    %eq3A_99 = arith.cmpf oeq, %eq3A_97, %eq3A_98 : vector<640x128xf32>
    %and3A_100 = vector.broadcast %slice3A_90 : vector<1x128xi1> to vector<640x128xi1>
    %and3A_101 = arith.andi %eq3A_99, %and3A_100 : vector<640x128xi1>
    %jit3A_102 = arith.constant 0.000000e+00 : f32
    %broadcast_in_dim3A_103 = vector.shape_cast %slice3A_91 : vector<1x128xf32> to vector<1x128xf32>
    %broadcast_in_dim3A_104 = vector.broadcast %broadcast_in_dim3A_103 : vector<1x128xf32> to vector<640x128xf32>
    %broadcast_in_dim3A_105 = vector.broadcast %jit3A_102 : f32 to vector<640x128xf32>
    %select_n3A_106 = arith.select %and3A_101, %broadcast_in_dim3A_104, %broadcast_in_dim3A_105 : vector<640x128xi1>, vector<640x128xf32>
    %add3A_107 = arith.addf %add3A_82, %select_n3A_106 : vector<640x128xf32>
    %jit3A_108 = arith.constant 0.000000e+00 : f32
    %broadcast_in_dim3A_109 = vector.shape_cast %convert_element_type3A_96 : vector<1x128xf32> to vector<1x128xf32>
    %broadcast_in_dim3A_110 = vector.broadcast %broadcast_in_dim3A_109 : vector<1x128xf32> to vector<640x128xf32>
    %broadcast_in_dim3A_111 = vector.broadcast %jit3A_108 : f32 to vector<640x128xf32>
    %select_n3A_112 = arith.select %and3A_101, %broadcast_in_dim3A_110, %broadcast_in_dim3A_111 : vector<640x128xi1>, vector<640x128xf32>
    %add3A_113 = arith.addf %add3A_88, %select_n3A_112 : vector<640x128xf32>
    %slice3A_114 = vector.extract_strided_slice %sub3A_60 {offsets = [2, 0], sizes = [1, 128], strides = [1, 1]} : vector<32x128xf32> to vector<1x128xf32>
    %slice3A_115 = vector.extract_strided_slice %or3A {offsets = [2, 0], sizes = [1, 128], strides = [1, 1]} : vector<32x128xi1> to vector<1x128xi1>
    %slice3A_116 = vector.extract_strided_slice %get3A_3 {offsets = [2, 0], sizes = [1, 128], strides = [1, 1]} : vector<32x128xf32> to vector<1x128xf32>
    %iota3A_117 = tpu.iota {dimensions = array<i32: 1>} : vector<1x128xi32>
    %add3A_118 = arith.constant 256 : i32
    %add3A_119 = vector.broadcast %add3A_118 : i32 to vector<1x128xi32>
    %add3A_120 = arith.addi %iota3A_117, %add3A_119 : vector<1x128xi32>
    %convert_element_type3A_121 = arith.sitofp %add3A_120 : vector<1x128xi32> to vector<1x128xf32>
    %eq3A_122 = vector.broadcast %slice3A_114 : vector<1x128xf32> to vector<640x128xf32>
    %eq3A_123 = vector.broadcast %convert_element_type3A_62 : vector<640x1xf32> to vector<640x128xf32>
    %eq3A_124 = arith.cmpf oeq, %eq3A_122, %eq3A_123 : vector<640x128xf32>
    %and3A_125 = vector.broadcast %slice3A_115 : vector<1x128xi1> to vector<640x128xi1>
    %and3A_126 = arith.andi %eq3A_124, %and3A_125 : vector<640x128xi1>
    %jit3A_127 = arith.constant 0.000000e+00 : f32
    %broadcast_in_dim3A_128 = vector.shape_cast %slice3A_116 : vector<1x128xf32> to vector<1x128xf32>
    %broadcast_in_dim3A_129 = vector.broadcast %broadcast_in_dim3A_128 : vector<1x128xf32> to vector<640x128xf32>
    %broadcast_in_dim3A_130 = vector.broadcast %jit3A_127 : f32 to vector<640x128xf32>
    %select_n3A_131 = arith.select %and3A_126, %broadcast_in_dim3A_129, %broadcast_in_dim3A_130 : vector<640x128xi1>, vector<640x128xf32>
    %add3A_132 = arith.addf %add3A_107, %select_n3A_131 : vector<640x128xf32>
    %jit3A_133 = arith.constant 0.000000e+00 : f32
    %broadcast_in_dim3A_134 = vector.shape_cast %convert_element_type3A_121 : vector<1x128xf32> to vector<1x128xf32>
    %broadcast_in_dim3A_135 = vector.broadcast %broadcast_in_dim3A_134 : vector<1x128xf32> to vector<640x128xf32>
    %broadcast_in_dim3A_136 = vector.broadcast %jit3A_133 : f32 to vector<640x128xf32>
    %select_n3A_137 = arith.select %and3A_126, %broadcast_in_dim3A_135, %broadcast_in_dim3A_136 : vector<640x128xi1>, vector<640x128xf32>
    %add3A_138 = arith.addf %add3A_113, %select_n3A_137 : vector<640x128xf32>
    %slice3A_139 = vector.extract_strided_slice %sub3A_60 {offsets = [3, 0], sizes = [1, 128], strides = [1, 1]} : vector<32x128xf32> to vector<1x128xf32>
    %slice3A_140 = vector.extract_strided_slice %or3A {offsets = [3, 0], sizes = [1, 128], strides = [1, 1]} : vector<32x128xi1> to vector<1x128xi1>
    %slice3A_141 = vector.extract_strided_slice %get3A_3 {offsets = [3, 0], sizes = [1, 128], strides = [1, 1]} : vector<32x128xf32> to vector<1x128xf32>
    %iota3A_142 = tpu.iota {dimensions = array<i32: 1>} : vector<1x128xi32>
    %add3A_143 = arith.constant 384 : i32
    %add3A_144 = vector.broadcast %add3A_143 : i32 to vector<1x128xi32>
    %add3A_145 = arith.addi %iota3A_142, %add3A_144 : vector<1x128xi32>
    %convert_element_type3A_146 = arith.sitofp %add3A_145 : vector<1x128xi32> to vector<1x128xf32>
    %eq3A_147 = vector.broadcast %slice3A_139 : vector<1x128xf32> to vector<640x128xf32>
    %eq3A_148 = vector.broadcast %convert_element_type3A_62 : vector<640x1xf32> to vector<640x128xf32>
    %eq3A_149 = arith.cmpf oeq, %eq3A_147, %eq3A_148 : vector<640x128xf32>
    %and3A_150 = vector.broadcast %slice3A_140 : vector<1x128xi1> to vector<640x128xi1>
    %and3A_151 = arith.andi %eq3A_149, %and3A_150 : vector<640x128xi1>
    %jit3A_152 = arith.constant 0.000000e+00 : f32
    %broadcast_in_dim3A_153 = vector.shape_cast %slice3A_141 : vector<1x128xf32> to vector<1x128xf32>
    %broadcast_in_dim3A_154 = vector.broadcast %broadcast_in_dim3A_153 : vector<1x128xf32> to vector<640x128xf32>
    %broadcast_in_dim3A_155 = vector.broadcast %jit3A_152 : f32 to vector<640x128xf32>
    %select_n3A_156 = arith.select %and3A_151, %broadcast_in_dim3A_154, %broadcast_in_dim3A_155 : vector<640x128xi1>, vector<640x128xf32>
    %add3A_157 = arith.addf %add3A_132, %select_n3A_156 : vector<640x128xf32>
    %jit3A_158 = arith.constant 0.000000e+00 : f32
    %broadcast_in_dim3A_159 = vector.shape_cast %convert_element_type3A_146 : vector<1x128xf32> to vector<1x128xf32>
    %broadcast_in_dim3A_160 = vector.broadcast %broadcast_in_dim3A_159 : vector<1x128xf32> to vector<640x128xf32>
    %broadcast_in_dim3A_161 = vector.broadcast %jit3A_158 : f32 to vector<640x128xf32>
    %select_n3A_162 = arith.select %and3A_151, %broadcast_in_dim3A_160, %broadcast_in_dim3A_161 : vector<640x128xi1>, vector<640x128xf32>
    %add3A_163 = arith.addf %add3A_138, %select_n3A_162 : vector<640x128xf32>
    %slice3A_164 = vector.extract_strided_slice %sub3A_60 {offsets = [4, 0], sizes = [1, 128], strides = [1, 1]} : vector<32x128xf32> to vector<1x128xf32>
    %slice3A_165 = vector.extract_strided_slice %or3A {offsets = [4, 0], sizes = [1, 128], strides = [1, 1]} : vector<32x128xi1> to vector<1x128xi1>
    %slice3A_166 = vector.extract_strided_slice %get3A_3 {offsets = [4, 0], sizes = [1, 128], strides = [1, 1]} : vector<32x128xf32> to vector<1x128xf32>
    %iota3A_167 = tpu.iota {dimensions = array<i32: 1>} : vector<1x128xi32>
    %add3A_168 = arith.constant 512 : i32
    %add3A_169 = vector.broadcast %add3A_168 : i32 to vector<1x128xi32>
    %add3A_170 = arith.addi %iota3A_167, %add3A_169 : vector<1x128xi32>
    %convert_element_type3A_171 = arith.sitofp %add3A_170 : vector<1x128xi32> to vector<1x128xf32>
    %eq3A_172 = vector.broadcast %slice3A_164 : vector<1x128xf32> to vector<640x128xf32>
    %eq3A_173 = vector.broadcast %convert_element_type3A_62 : vector<640x1xf32> to vector<640x128xf32>
    %eq3A_174 = arith.cmpf oeq, %eq3A_172, %eq3A_173 : vector<640x128xf32>
    %and3A_175 = vector.broadcast %slice3A_165 : vector<1x128xi1> to vector<640x128xi1>
    %and3A_176 = arith.andi %eq3A_174, %and3A_175 : vector<640x128xi1>
    %jit3A_177 = arith.constant 0.000000e+00 : f32
    %broadcast_in_dim3A_178 = vector.shape_cast %slice3A_166 : vector<1x128xf32> to vector<1x128xf32>
    %broadcast_in_dim3A_179 = vector.broadcast %broadcast_in_dim3A_178 : vector<1x128xf32> to vector<640x128xf32>
    %broadcast_in_dim3A_180 = vector.broadcast %jit3A_177 : f32 to vector<640x128xf32>
    %select_n3A_181 = arith.select %and3A_176, %broadcast_in_dim3A_179, %broadcast_in_dim3A_180 : vector<640x128xi1>, vector<640x128xf32>
    %add3A_182 = arith.addf %add3A_157, %select_n3A_181 : vector<640x128xf32>
    %jit3A_183 = arith.constant 0.000000e+00 : f32
    %broadcast_in_dim3A_184 = vector.shape_cast %convert_element_type3A_171 : vector<1x128xf32> to vector<1x128xf32>
    %broadcast_in_dim3A_185 = vector.broadcast %broadcast_in_dim3A_184 : vector<1x128xf32> to vector<640x128xf32>
    %broadcast_in_dim3A_186 = vector.broadcast %jit3A_183 : f32 to vector<640x128xf32>
    %select_n3A_187 = arith.select %and3A_176, %broadcast_in_dim3A_185, %broadcast_in_dim3A_186 : vector<640x128xi1>, vector<640x128xf32>
    %add3A_188 = arith.addf %add3A_163, %select_n3A_187 : vector<640x128xf32>
    %slice3A_189 = vector.extract_strided_slice %sub3A_60 {offsets = [5, 0], sizes = [1, 128], strides = [1, 1]} : vector<32x128xf32> to vector<1x128xf32>
    %slice3A_190 = vector.extract_strided_slice %or3A {offsets = [5, 0], sizes = [1, 128], strides = [1, 1]} : vector<32x128xi1> to vector<1x128xi1>
    %slice3A_191 = vector.extract_strided_slice %get3A_3 {offsets = [5, 0], sizes = [1, 128], strides = [1, 1]} : vector<32x128xf32> to vector<1x128xf32>
    %iota3A_192 = tpu.iota {dimensions = array<i32: 1>} : vector<1x128xi32>
    %add3A_193 = arith.constant 640 : i32
    %add3A_194 = vector.broadcast %add3A_193 : i32 to vector<1x128xi32>
    %add3A_195 = arith.addi %iota3A_192, %add3A_194 : vector<1x128xi32>
    %convert_element_type3A_196 = arith.sitofp %add3A_195 : vector<1x128xi32> to vector<1x128xf32>
    %eq3A_197 = vector.broadcast %slice3A_189 : vector<1x128xf32> to vector<640x128xf32>
    %eq3A_198 = vector.broadcast %convert_element_type3A_62 : vector<640x1xf32> to vector<640x128xf32>
    %eq3A_199 = arith.cmpf oeq, %eq3A_197, %eq3A_198 : vector<640x128xf32>
    %and3A_200 = vector.broadcast %slice3A_190 : vector<1x128xi1> to vector<640x128xi1>
    %and3A_201 = arith.andi %eq3A_199, %and3A_200 : vector<640x128xi1>
    %jit3A_202 = arith.constant 0.000000e+00 : f32
    %broadcast_in_dim3A_203 = vector.shape_cast %slice3A_191 : vector<1x128xf32> to vector<1x128xf32>
    %broadcast_in_dim3A_204 = vector.broadcast %broadcast_in_dim3A_203 : vector<1x128xf32> to vector<640x128xf32>
    %broadcast_in_dim3A_205 = vector.broadcast %jit3A_202 : f32 to vector<640x128xf32>
    %select_n3A_206 = arith.select %and3A_201, %broadcast_in_dim3A_204, %broadcast_in_dim3A_205 : vector<640x128xi1>, vector<640x128xf32>
    %add3A_207 = arith.addf %add3A_182, %select_n3A_206 : vector<640x128xf32>
    %jit3A_208 = arith.constant 0.000000e+00 : f32
    %broadcast_in_dim3A_209 = vector.shape_cast %convert_element_type3A_196 : vector<1x128xf32> to vector<1x128xf32>
    %broadcast_in_dim3A_210 = vector.broadcast %broadcast_in_dim3A_209 : vector<1x128xf32> to vector<640x128xf32>
    %broadcast_in_dim3A_211 = vector.broadcast %jit3A_208 : f32 to vector<640x128xf32>
    %select_n3A_212 = arith.select %and3A_201, %broadcast_in_dim3A_210, %broadcast_in_dim3A_211 : vector<640x128xi1>, vector<640x128xf32>
    %add3A_213 = arith.addf %add3A_188, %select_n3A_212 : vector<640x128xf32>
    %slice3A_214 = vector.extract_strided_slice %sub3A_60 {offsets = [6, 0], sizes = [1, 128], strides = [1, 1]} : vector<32x128xf32> to vector<1x128xf32>
    %slice3A_215 = vector.extract_strided_slice %or3A {offsets = [6, 0], sizes = [1, 128], strides = [1, 1]} : vector<32x128xi1> to vector<1x128xi1>
    %slice3A_216 = vector.extract_strided_slice %get3A_3 {offsets = [6, 0], sizes = [1, 128], strides = [1, 1]} : vector<32x128xf32> to vector<1x128xf32>
    %iota3A_217 = tpu.iota {dimensions = array<i32: 1>} : vector<1x128xi32>
    %add3A_218 = arith.constant 768 : i32
    %add3A_219 = vector.broadcast %add3A_218 : i32 to vector<1x128xi32>
    %add3A_220 = arith.addi %iota3A_217, %add3A_219 : vector<1x128xi32>
    %convert_element_type3A_221 = arith.sitofp %add3A_220 : vector<1x128xi32> to vector<1x128xf32>
    %eq3A_222 = vector.broadcast %slice3A_214 : vector<1x128xf32> to vector<640x128xf32>
    %eq3A_223 = vector.broadcast %convert_element_type3A_62 : vector<640x1xf32> to vector<640x128xf32>
    %eq3A_224 = arith.cmpf oeq, %eq3A_222, %eq3A_223 : vector<640x128xf32>
    %and3A_225 = vector.broadcast %slice3A_215 : vector<1x128xi1> to vector<640x128xi1>
    %and3A_226 = arith.andi %eq3A_224, %and3A_225 : vector<640x128xi1>
    %jit3A_227 = arith.constant 0.000000e+00 : f32
    %broadcast_in_dim3A_228 = vector.shape_cast %slice3A_216 : vector<1x128xf32> to vector<1x128xf32>
    %broadcast_in_dim3A_229 = vector.broadcast %broadcast_in_dim3A_228 : vector<1x128xf32> to vector<640x128xf32>
    %broadcast_in_dim3A_230 = vector.broadcast %jit3A_227 : f32 to vector<640x128xf32>
    %select_n3A_231 = arith.select %and3A_226, %broadcast_in_dim3A_229, %broadcast_in_dim3A_230 : vector<640x128xi1>, vector<640x128xf32>
    %add3A_232 = arith.addf %add3A_207, %select_n3A_231 : vector<640x128xf32>
    %jit3A_233 = arith.constant 0.000000e+00 : f32
    %broadcast_in_dim3A_234 = vector.shape_cast %convert_element_type3A_221 : vector<1x128xf32> to vector<1x128xf32>
    %broadcast_in_dim3A_235 = vector.broadcast %broadcast_in_dim3A_234 : vector<1x128xf32> to vector<640x128xf32>
    %broadcast_in_dim3A_236 = vector.broadcast %jit3A_233 : f32 to vector<640x128xf32>
    %select_n3A_237 = arith.select %and3A_226, %broadcast_in_dim3A_235, %broadcast_in_dim3A_236 : vector<640x128xi1>, vector<640x128xf32>
    %add3A_238 = arith.addf %add3A_213, %select_n3A_237 : vector<640x128xf32>
    %slice3A_239 = vector.extract_strided_slice %sub3A_60 {offsets = [7, 0], sizes = [1, 128], strides = [1, 1]} : vector<32x128xf32> to vector<1x128xf32>
    %slice3A_240 = vector.extract_strided_slice %or3A {offsets = [7, 0], sizes = [1, 128], strides = [1, 1]} : vector<32x128xi1> to vector<1x128xi1>
    %slice3A_241 = vector.extract_strided_slice %get3A_3 {offsets = [7, 0], sizes = [1, 128], strides = [1, 1]} : vector<32x128xf32> to vector<1x128xf32>
    %iota3A_242 = tpu.iota {dimensions = array<i32: 1>} : vector<1x128xi32>
    %add3A_243 = arith.constant 896 : i32
    %add3A_244 = vector.broadcast %add3A_243 : i32 to vector<1x128xi32>
    %add3A_245 = arith.addi %iota3A_242, %add3A_244 : vector<1x128xi32>
    %convert_element_type3A_246 = arith.sitofp %add3A_245 : vector<1x128xi32> to vector<1x128xf32>
    %eq3A_247 = vector.broadcast %slice3A_239 : vector<1x128xf32> to vector<640x128xf32>
    %eq3A_248 = vector.broadcast %convert_element_type3A_62 : vector<640x1xf32> to vector<640x128xf32>
    %eq3A_249 = arith.cmpf oeq, %eq3A_247, %eq3A_248 : vector<640x128xf32>
    %and3A_250 = vector.broadcast %slice3A_240 : vector<1x128xi1> to vector<640x128xi1>
    %and3A_251 = arith.andi %eq3A_249, %and3A_250 : vector<640x128xi1>
    %jit3A_252 = arith.constant 0.000000e+00 : f32
    %broadcast_in_dim3A_253 = vector.shape_cast %slice3A_241 : vector<1x128xf32> to vector<1x128xf32>
    %broadcast_in_dim3A_254 = vector.broadcast %broadcast_in_dim3A_253 : vector<1x128xf32> to vector<640x128xf32>
    %broadcast_in_dim3A_255 = vector.broadcast %jit3A_252 : f32 to vector<640x128xf32>
    %select_n3A_256 = arith.select %and3A_251, %broadcast_in_dim3A_254, %broadcast_in_dim3A_255 : vector<640x128xi1>, vector<640x128xf32>
    %add3A_257 = arith.addf %add3A_232, %select_n3A_256 : vector<640x128xf32>
    %jit3A_258 = arith.constant 0.000000e+00 : f32
    %broadcast_in_dim3A_259 = vector.shape_cast %convert_element_type3A_246 : vector<1x128xf32> to vector<1x128xf32>
    %broadcast_in_dim3A_260 = vector.broadcast %broadcast_in_dim3A_259 : vector<1x128xf32> to vector<640x128xf32>
    %broadcast_in_dim3A_261 = vector.broadcast %jit3A_258 : f32 to vector<640x128xf32>
    %select_n3A_262 = arith.select %and3A_251, %broadcast_in_dim3A_260, %broadcast_in_dim3A_261 : vector<640x128xi1>, vector<640x128xf32>
    %add3A_263 = arith.addf %add3A_238, %select_n3A_262 : vector<640x128xf32>
    %slice3A_264 = vector.extract_strided_slice %sub3A_60 {offsets = [8, 0], sizes = [1, 128], strides = [1, 1]} : vector<32x128xf32> to vector<1x128xf32>
    %slice3A_265 = vector.extract_strided_slice %or3A {offsets = [8, 0], sizes = [1, 128], strides = [1, 1]} : vector<32x128xi1> to vector<1x128xi1>
    %slice3A_266 = vector.extract_strided_slice %get3A_3 {offsets = [8, 0], sizes = [1, 128], strides = [1, 1]} : vector<32x128xf32> to vector<1x128xf32>
    %iota3A_267 = tpu.iota {dimensions = array<i32: 1>} : vector<1x128xi32>
    %add3A_268 = arith.constant 1024 : i32
    %add3A_269 = vector.broadcast %add3A_268 : i32 to vector<1x128xi32>
    %add3A_270 = arith.addi %iota3A_267, %add3A_269 : vector<1x128xi32>
    %convert_element_type3A_271 = arith.sitofp %add3A_270 : vector<1x128xi32> to vector<1x128xf32>
    %eq3A_272 = vector.broadcast %slice3A_264 : vector<1x128xf32> to vector<640x128xf32>
    %eq3A_273 = vector.broadcast %convert_element_type3A_62 : vector<640x1xf32> to vector<640x128xf32>
    %eq3A_274 = arith.cmpf oeq, %eq3A_272, %eq3A_273 : vector<640x128xf32>
    %and3A_275 = vector.broadcast %slice3A_265 : vector<1x128xi1> to vector<640x128xi1>
    %and3A_276 = arith.andi %eq3A_274, %and3A_275 : vector<640x128xi1>
    %jit3A_277 = arith.constant 0.000000e+00 : f32
    %broadcast_in_dim3A_278 = vector.shape_cast %slice3A_266 : vector<1x128xf32> to vector<1x128xf32>
    %broadcast_in_dim3A_279 = vector.broadcast %broadcast_in_dim3A_278 : vector<1x128xf32> to vector<640x128xf32>
    %broadcast_in_dim3A_280 = vector.broadcast %jit3A_277 : f32 to vector<640x128xf32>
    %select_n3A_281 = arith.select %and3A_276, %broadcast_in_dim3A_279, %broadcast_in_dim3A_280 : vector<640x128xi1>, vector<640x128xf32>
    %add3A_282 = arith.addf %add3A_257, %select_n3A_281 : vector<640x128xf32>
    %jit3A_283 = arith.constant 0.000000e+00 : f32
    %broadcast_in_dim3A_284 = vector.shape_cast %convert_element_type3A_271 : vector<1x128xf32> to vector<1x128xf32>
    %broadcast_in_dim3A_285 = vector.broadcast %broadcast_in_dim3A_284 : vector<1x128xf32> to vector<640x128xf32>
    %broadcast_in_dim3A_286 = vector.broadcast %jit3A_283 : f32 to vector<640x128xf32>
    %select_n3A_287 = arith.select %and3A_276, %broadcast_in_dim3A_285, %broadcast_in_dim3A_286 : vector<640x128xi1>, vector<640x128xf32>
    %add3A_288 = arith.addf %add3A_263, %select_n3A_287 : vector<640x128xf32>
    %slice3A_289 = vector.extract_strided_slice %sub3A_60 {offsets = [9, 0], sizes = [1, 128], strides = [1, 1]} : vector<32x128xf32> to vector<1x128xf32>
    %slice3A_290 = vector.extract_strided_slice %or3A {offsets = [9, 0], sizes = [1, 128], strides = [1, 1]} : vector<32x128xi1> to vector<1x128xi1>
    %slice3A_291 = vector.extract_strided_slice %get3A_3 {offsets = [9, 0], sizes = [1, 128], strides = [1, 1]} : vector<32x128xf32> to vector<1x128xf32>
    %iota3A_292 = tpu.iota {dimensions = array<i32: 1>} : vector<1x128xi32>
    %add3A_293 = arith.constant 1152 : i32
    %add3A_294 = vector.broadcast %add3A_293 : i32 to vector<1x128xi32>
    %add3A_295 = arith.addi %iota3A_292, %add3A_294 : vector<1x128xi32>
    %convert_element_type3A_296 = arith.sitofp %add3A_295 : vector<1x128xi32> to vector<1x128xf32>
    %eq3A_297 = vector.broadcast %slice3A_289 : vector<1x128xf32> to vector<640x128xf32>
    %eq3A_298 = vector.broadcast %convert_element_type3A_62 : vector<640x1xf32> to vector<640x128xf32>
    %eq3A_299 = arith.cmpf oeq, %eq3A_297, %eq3A_298 : vector<640x128xf32>
    %and3A_300 = vector.broadcast %slice3A_290 : vector<1x128xi1> to vector<640x128xi1>
    %and3A_301 = arith.andi %eq3A_299, %and3A_300 : vector<640x128xi1>
    %jit3A_302 = arith.constant 0.000000e+00 : f32
    %broadcast_in_dim3A_303 = vector.shape_cast %slice3A_291 : vector<1x128xf32> to vector<1x128xf32>
    %broadcast_in_dim3A_304 = vector.broadcast %broadcast_in_dim3A_303 : vector<1x128xf32> to vector<640x128xf32>
    %broadcast_in_dim3A_305 = vector.broadcast %jit3A_302 : f32 to vector<640x128xf32>
    %select_n3A_306 = arith.select %and3A_301, %broadcast_in_dim3A_304, %broadcast_in_dim3A_305 : vector<640x128xi1>, vector<640x128xf32>
    %add3A_307 = arith.addf %add3A_282, %select_n3A_306 : vector<640x128xf32>
    %jit3A_308 = arith.constant 0.000000e+00 : f32
    %broadcast_in_dim3A_309 = vector.shape_cast %convert_element_type3A_296 : vector<1x128xf32> to vector<1x128xf32>
    %broadcast_in_dim3A_310 = vector.broadcast %broadcast_in_dim3A_309 : vector<1x128xf32> to vector<640x128xf32>
    %broadcast_in_dim3A_311 = vector.broadcast %jit3A_308 : f32 to vector<640x128xf32>
    %select_n3A_312 = arith.select %and3A_301, %broadcast_in_dim3A_310, %broadcast_in_dim3A_311 : vector<640x128xi1>, vector<640x128xf32>
    %add3A_313 = arith.addf %add3A_288, %select_n3A_312 : vector<640x128xf32>
    %slice3A_314 = vector.extract_strided_slice %sub3A_60 {offsets = [10, 0], sizes = [1, 128], strides = [1, 1]} : vector<32x128xf32> to vector<1x128xf32>
    %slice3A_315 = vector.extract_strided_slice %or3A {offsets = [10, 0], sizes = [1, 128], strides = [1, 1]} : vector<32x128xi1> to vector<1x128xi1>
    %slice3A_316 = vector.extract_strided_slice %get3A_3 {offsets = [10, 0], sizes = [1, 128], strides = [1, 1]} : vector<32x128xf32> to vector<1x128xf32>
    %iota3A_317 = tpu.iota {dimensions = array<i32: 1>} : vector<1x128xi32>
    %add3A_318 = arith.constant 1280 : i32
    %add3A_319 = vector.broadcast %add3A_318 : i32 to vector<1x128xi32>
    %add3A_320 = arith.addi %iota3A_317, %add3A_319 : vector<1x128xi32>
    %convert_element_type3A_321 = arith.sitofp %add3A_320 : vector<1x128xi32> to vector<1x128xf32>
    %eq3A_322 = vector.broadcast %slice3A_314 : vector<1x128xf32> to vector<640x128xf32>
    %eq3A_323 = vector.broadcast %convert_element_type3A_62 : vector<640x1xf32> to vector<640x128xf32>
    %eq3A_324 = arith.cmpf oeq, %eq3A_322, %eq3A_323 : vector<640x128xf32>
    %and3A_325 = vector.broadcast %slice3A_315 : vector<1x128xi1> to vector<640x128xi1>
    %and3A_326 = arith.andi %eq3A_324, %and3A_325 : vector<640x128xi1>
    %jit3A_327 = arith.constant 0.000000e+00 : f32
    %broadcast_in_dim3A_328 = vector.shape_cast %slice3A_316 : vector<1x128xf32> to vector<1x128xf32>
    %broadcast_in_dim3A_329 = vector.broadcast %broadcast_in_dim3A_328 : vector<1x128xf32> to vector<640x128xf32>
    %broadcast_in_dim3A_330 = vector.broadcast %jit3A_327 : f32 to vector<640x128xf32>
    %select_n3A_331 = arith.select %and3A_326, %broadcast_in_dim3A_329, %broadcast_in_dim3A_330 : vector<640x128xi1>, vector<640x128xf32>
    %add3A_332 = arith.addf %add3A_307, %select_n3A_331 : vector<640x128xf32>
    %jit3A_333 = arith.constant 0.000000e+00 : f32
    %broadcast_in_dim3A_334 = vector.shape_cast %convert_element_type3A_321 : vector<1x128xf32> to vector<1x128xf32>
    %broadcast_in_dim3A_335 = vector.broadcast %broadcast_in_dim3A_334 : vector<1x128xf32> to vector<640x128xf32>
    %broadcast_in_dim3A_336 = vector.broadcast %jit3A_333 : f32 to vector<640x128xf32>
    %select_n3A_337 = arith.select %and3A_326, %broadcast_in_dim3A_335, %broadcast_in_dim3A_336 : vector<640x128xi1>, vector<640x128xf32>
    %add3A_338 = arith.addf %add3A_313, %select_n3A_337 : vector<640x128xf32>
    %slice3A_339 = vector.extract_strided_slice %sub3A_60 {offsets = [11, 0], sizes = [1, 128], strides = [1, 1]} : vector<32x128xf32> to vector<1x128xf32>
    %slice3A_340 = vector.extract_strided_slice %or3A {offsets = [11, 0], sizes = [1, 128], strides = [1, 1]} : vector<32x128xi1> to vector<1x128xi1>
    %slice3A_341 = vector.extract_strided_slice %get3A_3 {offsets = [11, 0], sizes = [1, 128], strides = [1, 1]} : vector<32x128xf32> to vector<1x128xf32>
    %iota3A_342 = tpu.iota {dimensions = array<i32: 1>} : vector<1x128xi32>
    %add3A_343 = arith.constant 1408 : i32
    %add3A_344 = vector.broadcast %add3A_343 : i32 to vector<1x128xi32>
    %add3A_345 = arith.addi %iota3A_342, %add3A_344 : vector<1x128xi32>
    %convert_element_type3A_346 = arith.sitofp %add3A_345 : vector<1x128xi32> to vector<1x128xf32>
    %eq3A_347 = vector.broadcast %slice3A_339 : vector<1x128xf32> to vector<640x128xf32>
    %eq3A_348 = vector.broadcast %convert_element_type3A_62 : vector<640x1xf32> to vector<640x128xf32>
    %eq3A_349 = arith.cmpf oeq, %eq3A_347, %eq3A_348 : vector<640x128xf32>
    %and3A_350 = vector.broadcast %slice3A_340 : vector<1x128xi1> to vector<640x128xi1>
    %and3A_351 = arith.andi %eq3A_349, %and3A_350 : vector<640x128xi1>
    %jit3A_352 = arith.constant 0.000000e+00 : f32
    %broadcast_in_dim3A_353 = vector.shape_cast %slice3A_341 : vector<1x128xf32> to vector<1x128xf32>
    %broadcast_in_dim3A_354 = vector.broadcast %broadcast_in_dim3A_353 : vector<1x128xf32> to vector<640x128xf32>
    %broadcast_in_dim3A_355 = vector.broadcast %jit3A_352 : f32 to vector<640x128xf32>
    %select_n3A_356 = arith.select %and3A_351, %broadcast_in_dim3A_354, %broadcast_in_dim3A_355 : vector<640x128xi1>, vector<640x128xf32>
    %add3A_357 = arith.addf %add3A_332, %select_n3A_356 : vector<640x128xf32>
    %jit3A_358 = arith.constant 0.000000e+00 : f32
    %broadcast_in_dim3A_359 = vector.shape_cast %convert_element_type3A_346 : vector<1x128xf32> to vector<1x128xf32>
    %broadcast_in_dim3A_360 = vector.broadcast %broadcast_in_dim3A_359 : vector<1x128xf32> to vector<640x128xf32>
    %broadcast_in_dim3A_361 = vector.broadcast %jit3A_358 : f32 to vector<640x128xf32>
    %select_n3A_362 = arith.select %and3A_351, %broadcast_in_dim3A_360, %broadcast_in_dim3A_361 : vector<640x128xi1>, vector<640x128xf32>
    %add3A_363 = arith.addf %add3A_338, %select_n3A_362 : vector<640x128xf32>
    %slice3A_364 = vector.extract_strided_slice %sub3A_60 {offsets = [12, 0], sizes = [1, 128], strides = [1, 1]} : vector<32x128xf32> to vector<1x128xf32>
    %slice3A_365 = vector.extract_strided_slice %or3A {offsets = [12, 0], sizes = [1, 128], strides = [1, 1]} : vector<32x128xi1> to vector<1x128xi1>
    %slice3A_366 = vector.extract_strided_slice %get3A_3 {offsets = [12, 0], sizes = [1, 128], strides = [1, 1]} : vector<32x128xf32> to vector<1x128xf32>
    %iota3A_367 = tpu.iota {dimensions = array<i32: 1>} : vector<1x128xi32>
    %add3A_368 = arith.constant 1536 : i32
    %add3A_369 = vector.broadcast %add3A_368 : i32 to vector<1x128xi32>
    %add3A_370 = arith.addi %iota3A_367, %add3A_369 : vector<1x128xi32>
    %convert_element_type3A_371 = arith.sitofp %add3A_370 : vector<1x128xi32> to vector<1x128xf32>
    %eq3A_372 = vector.broadcast %slice3A_364 : vector<1x128xf32> to vector<640x128xf32>
    %eq3A_373 = vector.broadcast %convert_element_type3A_62 : vector<640x1xf32> to vector<640x128xf32>
    %eq3A_374 = arith.cmpf oeq, %eq3A_372, %eq3A_373 : vector<640x128xf32>
    %and3A_375 = vector.broadcast %slice3A_365 : vector<1x128xi1> to vector<640x128xi1>
    %and3A_376 = arith.andi %eq3A_374, %and3A_375 : vector<640x128xi1>
    %jit3A_377 = arith.constant 0.000000e+00 : f32
    %broadcast_in_dim3A_378 = vector.shape_cast %slice3A_366 : vector<1x128xf32> to vector<1x128xf32>
    %broadcast_in_dim3A_379 = vector.broadcast %broadcast_in_dim3A_378 : vector<1x128xf32> to vector<640x128xf32>
    %broadcast_in_dim3A_380 = vector.broadcast %jit3A_377 : f32 to vector<640x128xf32>
    %select_n3A_381 = arith.select %and3A_376, %broadcast_in_dim3A_379, %broadcast_in_dim3A_380 : vector<640x128xi1>, vector<640x128xf32>
    %add3A_382 = arith.addf %add3A_357, %select_n3A_381 : vector<640x128xf32>
    %jit3A_383 = arith.constant 0.000000e+00 : f32
    %broadcast_in_dim3A_384 = vector.shape_cast %convert_element_type3A_371 : vector<1x128xf32> to vector<1x128xf32>
    %broadcast_in_dim3A_385 = vector.broadcast %broadcast_in_dim3A_384 : vector<1x128xf32> to vector<640x128xf32>
    %broadcast_in_dim3A_386 = vector.broadcast %jit3A_383 : f32 to vector<640x128xf32>
    %select_n3A_387 = arith.select %and3A_376, %broadcast_in_dim3A_385, %broadcast_in_dim3A_386 : vector<640x128xi1>, vector<640x128xf32>
    %add3A_388 = arith.addf %add3A_363, %select_n3A_387 : vector<640x128xf32>
    %slice3A_389 = vector.extract_strided_slice %sub3A_60 {offsets = [13, 0], sizes = [1, 128], strides = [1, 1]} : vector<32x128xf32> to vector<1x128xf32>
    %slice3A_390 = vector.extract_strided_slice %or3A {offsets = [13, 0], sizes = [1, 128], strides = [1, 1]} : vector<32x128xi1> to vector<1x128xi1>
    %slice3A_391 = vector.extract_strided_slice %get3A_3 {offsets = [13, 0], sizes = [1, 128], strides = [1, 1]} : vector<32x128xf32> to vector<1x128xf32>
    %iota3A_392 = tpu.iota {dimensions = array<i32: 1>} : vector<1x128xi32>
    %add3A_393 = arith.constant 1664 : i32
    %add3A_394 = vector.broadcast %add3A_393 : i32 to vector<1x128xi32>
    %add3A_395 = arith.addi %iota3A_392, %add3A_394 : vector<1x128xi32>
    %convert_element_type3A_396 = arith.sitofp %add3A_395 : vector<1x128xi32> to vector<1x128xf32>
    %eq3A_397 = vector.broadcast %slice3A_389 : vector<1x128xf32> to vector<640x128xf32>
    %eq3A_398 = vector.broadcast %convert_element_type3A_62 : vector<640x1xf32> to vector<640x128xf32>
    %eq3A_399 = arith.cmpf oeq, %eq3A_397, %eq3A_398 : vector<640x128xf32>
    %and3A_400 = vector.broadcast %slice3A_390 : vector<1x128xi1> to vector<640x128xi1>
    %and3A_401 = arith.andi %eq3A_399, %and3A_400 : vector<640x128xi1>
    %jit3A_402 = arith.constant 0.000000e+00 : f32
    %broadcast_in_dim3A_403 = vector.shape_cast %slice3A_391 : vector<1x128xf32> to vector<1x128xf32>
    %broadcast_in_dim3A_404 = vector.broadcast %broadcast_in_dim3A_403 : vector<1x128xf32> to vector<640x128xf32>
    %broadcast_in_dim3A_405 = vector.broadcast %jit3A_402 : f32 to vector<640x128xf32>
    %select_n3A_406 = arith.select %and3A_401, %broadcast_in_dim3A_404, %broadcast_in_dim3A_405 : vector<640x128xi1>, vector<640x128xf32>
    %add3A_407 = arith.addf %add3A_382, %select_n3A_406 : vector<640x128xf32>
    %jit3A_408 = arith.constant 0.000000e+00 : f32
    %broadcast_in_dim3A_409 = vector.shape_cast %convert_element_type3A_396 : vector<1x128xf32> to vector<1x128xf32>
    %broadcast_in_dim3A_410 = vector.broadcast %broadcast_in_dim3A_409 : vector<1x128xf32> to vector<640x128xf32>
    %broadcast_in_dim3A_411 = vector.broadcast %jit3A_408 : f32 to vector<640x128xf32>
    %select_n3A_412 = arith.select %and3A_401, %broadcast_in_dim3A_410, %broadcast_in_dim3A_411 : vector<640x128xi1>, vector<640x128xf32>
    %add3A_413 = arith.addf %add3A_388, %select_n3A_412 : vector<640x128xf32>
    %slice3A_414 = vector.extract_strided_slice %sub3A_60 {offsets = [14, 0], sizes = [1, 128], strides = [1, 1]} : vector<32x128xf32> to vector<1x128xf32>
    %slice3A_415 = vector.extract_strided_slice %or3A {offsets = [14, 0], sizes = [1, 128], strides = [1, 1]} : vector<32x128xi1> to vector<1x128xi1>
    %slice3A_416 = vector.extract_strided_slice %get3A_3 {offsets = [14, 0], sizes = [1, 128], strides = [1, 1]} : vector<32x128xf32> to vector<1x128xf32>
    %iota3A_417 = tpu.iota {dimensions = array<i32: 1>} : vector<1x128xi32>
    %add3A_418 = arith.constant 1792 : i32
    %add3A_419 = vector.broadcast %add3A_418 : i32 to vector<1x128xi32>
    %add3A_420 = arith.addi %iota3A_417, %add3A_419 : vector<1x128xi32>
    %convert_element_type3A_421 = arith.sitofp %add3A_420 : vector<1x128xi32> to vector<1x128xf32>
    %eq3A_422 = vector.broadcast %slice3A_414 : vector<1x128xf32> to vector<640x128xf32>
    %eq3A_423 = vector.broadcast %convert_element_type3A_62 : vector<640x1xf32> to vector<640x128xf32>
    %eq3A_424 = arith.cmpf oeq, %eq3A_422, %eq3A_423 : vector<640x128xf32>
    %and3A_425 = vector.broadcast %slice3A_415 : vector<1x128xi1> to vector<640x128xi1>
    %and3A_426 = arith.andi %eq3A_424, %and3A_425 : vector<640x128xi1>
    %jit3A_427 = arith.constant 0.000000e+00 : f32
    %broadcast_in_dim3A_428 = vector.shape_cast %slice3A_416 : vector<1x128xf32> to vector<1x128xf32>
    %broadcast_in_dim3A_429 = vector.broadcast %broadcast_in_dim3A_428 : vector<1x128xf32> to vector<640x128xf32>
    %broadcast_in_dim3A_430 = vector.broadcast %jit3A_427 : f32 to vector<640x128xf32>
    %select_n3A_431 = arith.select %and3A_426, %broadcast_in_dim3A_429, %broadcast_in_dim3A_430 : vector<640x128xi1>, vector<640x128xf32>
    %add3A_432 = arith.addf %add3A_407, %select_n3A_431 : vector<640x128xf32>
    %jit3A_433 = arith.constant 0.000000e+00 : f32
    %broadcast_in_dim3A_434 = vector.shape_cast %convert_element_type3A_421 : vector<1x128xf32> to vector<1x128xf32>
    %broadcast_in_dim3A_435 = vector.broadcast %broadcast_in_dim3A_434 : vector<1x128xf32> to vector<640x128xf32>
    %broadcast_in_dim3A_436 = vector.broadcast %jit3A_433 : f32 to vector<640x128xf32>
    %select_n3A_437 = arith.select %and3A_426, %broadcast_in_dim3A_435, %broadcast_in_dim3A_436 : vector<640x128xi1>, vector<640x128xf32>
    %add3A_438 = arith.addf %add3A_413, %select_n3A_437 : vector<640x128xf32>
    %slice3A_439 = vector.extract_strided_slice %sub3A_60 {offsets = [15, 0], sizes = [1, 128], strides = [1, 1]} : vector<32x128xf32> to vector<1x128xf32>
    %slice3A_440 = vector.extract_strided_slice %or3A {offsets = [15, 0], sizes = [1, 128], strides = [1, 1]} : vector<32x128xi1> to vector<1x128xi1>
    %slice3A_441 = vector.extract_strided_slice %get3A_3 {offsets = [15, 0], sizes = [1, 128], strides = [1, 1]} : vector<32x128xf32> to vector<1x128xf32>
    %iota3A_442 = tpu.iota {dimensions = array<i32: 1>} : vector<1x128xi32>
    %add3A_443 = arith.constant 1920 : i32
    %add3A_444 = vector.broadcast %add3A_443 : i32 to vector<1x128xi32>
    %add3A_445 = arith.addi %iota3A_442, %add3A_444 : vector<1x128xi32>
    %convert_element_type3A_446 = arith.sitofp %add3A_445 : vector<1x128xi32> to vector<1x128xf32>
    %eq3A_447 = vector.broadcast %slice3A_439 : vector<1x128xf32> to vector<640x128xf32>
    %eq3A_448 = vector.broadcast %convert_element_type3A_62 : vector<640x1xf32> to vector<640x128xf32>
    %eq3A_449 = arith.cmpf oeq, %eq3A_447, %eq3A_448 : vector<640x128xf32>
    %and3A_450 = vector.broadcast %slice3A_440 : vector<1x128xi1> to vector<640x128xi1>
    %and3A_451 = arith.andi %eq3A_449, %and3A_450 : vector<640x128xi1>
    %jit3A_452 = arith.constant 0.000000e+00 : f32
    %broadcast_in_dim3A_453 = vector.shape_cast %slice3A_441 : vector<1x128xf32> to vector<1x128xf32>
    %broadcast_in_dim3A_454 = vector.broadcast %broadcast_in_dim3A_453 : vector<1x128xf32> to vector<640x128xf32>
    %broadcast_in_dim3A_455 = vector.broadcast %jit3A_452 : f32 to vector<640x128xf32>
    %select_n3A_456 = arith.select %and3A_451, %broadcast_in_dim3A_454, %broadcast_in_dim3A_455 : vector<640x128xi1>, vector<640x128xf32>
    %add3A_457 = arith.addf %add3A_432, %select_n3A_456 : vector<640x128xf32>
    %jit3A_458 = arith.constant 0.000000e+00 : f32
    %broadcast_in_dim3A_459 = vector.shape_cast %convert_element_type3A_446 : vector<1x128xf32> to vector<1x128xf32>
    %broadcast_in_dim3A_460 = vector.broadcast %broadcast_in_dim3A_459 : vector<1x128xf32> to vector<640x128xf32>
    %broadcast_in_dim3A_461 = vector.broadcast %jit3A_458 : f32 to vector<640x128xf32>
    %select_n3A_462 = arith.select %and3A_451, %broadcast_in_dim3A_460, %broadcast_in_dim3A_461 : vector<640x128xi1>, vector<640x128xf32>
    %add3A_463 = arith.addf %add3A_438, %select_n3A_462 : vector<640x128xf32>
    %slice3A_464 = vector.extract_strided_slice %sub3A_60 {offsets = [16, 0], sizes = [1, 128], strides = [1, 1]} : vector<32x128xf32> to vector<1x128xf32>
    %slice3A_465 = vector.extract_strided_slice %or3A {offsets = [16, 0], sizes = [1, 128], strides = [1, 1]} : vector<32x128xi1> to vector<1x128xi1>
    %slice3A_466 = vector.extract_strided_slice %get3A_3 {offsets = [16, 0], sizes = [1, 128], strides = [1, 1]} : vector<32x128xf32> to vector<1x128xf32>
    %iota3A_467 = tpu.iota {dimensions = array<i32: 1>} : vector<1x128xi32>
    %add3A_468 = arith.constant 2048 : i32
    %add3A_469 = vector.broadcast %add3A_468 : i32 to vector<1x128xi32>
    %add3A_470 = arith.addi %iota3A_467, %add3A_469 : vector<1x128xi32>
    %convert_element_type3A_471 = arith.sitofp %add3A_470 : vector<1x128xi32> to vector<1x128xf32>
    %eq3A_472 = vector.broadcast %slice3A_464 : vector<1x128xf32> to vector<640x128xf32>
    %eq3A_473 = vector.broadcast %convert_element_type3A_62 : vector<640x1xf32> to vector<640x128xf32>
    %eq3A_474 = arith.cmpf oeq, %eq3A_472, %eq3A_473 : vector<640x128xf32>
    %and3A_475 = vector.broadcast %slice3A_465 : vector<1x128xi1> to vector<640x128xi1>
    %and3A_476 = arith.andi %eq3A_474, %and3A_475 : vector<640x128xi1>
    %jit3A_477 = arith.constant 0.000000e+00 : f32
    %broadcast_in_dim3A_478 = vector.shape_cast %slice3A_466 : vector<1x128xf32> to vector<1x128xf32>
    %broadcast_in_dim3A_479 = vector.broadcast %broadcast_in_dim3A_478 : vector<1x128xf32> to vector<640x128xf32>
    %broadcast_in_dim3A_480 = vector.broadcast %jit3A_477 : f32 to vector<640x128xf32>
    %select_n3A_481 = arith.select %and3A_476, %broadcast_in_dim3A_479, %broadcast_in_dim3A_480 : vector<640x128xi1>, vector<640x128xf32>
    %add3A_482 = arith.addf %add3A_457, %select_n3A_481 : vector<640x128xf32>
    %jit3A_483 = arith.constant 0.000000e+00 : f32
    %broadcast_in_dim3A_484 = vector.shape_cast %convert_element_type3A_471 : vector<1x128xf32> to vector<1x128xf32>
    %broadcast_in_dim3A_485 = vector.broadcast %broadcast_in_dim3A_484 : vector<1x128xf32> to vector<640x128xf32>
    %broadcast_in_dim3A_486 = vector.broadcast %jit3A_483 : f32 to vector<640x128xf32>
    %select_n3A_487 = arith.select %and3A_476, %broadcast_in_dim3A_485, %broadcast_in_dim3A_486 : vector<640x128xi1>, vector<640x128xf32>
    %add3A_488 = arith.addf %add3A_463, %select_n3A_487 : vector<640x128xf32>
    %slice3A_489 = vector.extract_strided_slice %sub3A_60 {offsets = [17, 0], sizes = [1, 128], strides = [1, 1]} : vector<32x128xf32> to vector<1x128xf32>
    %slice3A_490 = vector.extract_strided_slice %or3A {offsets = [17, 0], sizes = [1, 128], strides = [1, 1]} : vector<32x128xi1> to vector<1x128xi1>
    %slice3A_491 = vector.extract_strided_slice %get3A_3 {offsets = [17, 0], sizes = [1, 128], strides = [1, 1]} : vector<32x128xf32> to vector<1x128xf32>
    %iota3A_492 = tpu.iota {dimensions = array<i32: 1>} : vector<1x128xi32>
    %add3A_493 = arith.constant 2176 : i32
    %add3A_494 = vector.broadcast %add3A_493 : i32 to vector<1x128xi32>
    %add3A_495 = arith.addi %iota3A_492, %add3A_494 : vector<1x128xi32>
    %convert_element_type3A_496 = arith.sitofp %add3A_495 : vector<1x128xi32> to vector<1x128xf32>
    %eq3A_497 = vector.broadcast %slice3A_489 : vector<1x128xf32> to vector<640x128xf32>
    %eq3A_498 = vector.broadcast %convert_element_type3A_62 : vector<640x1xf32> to vector<640x128xf32>
    %eq3A_499 = arith.cmpf oeq, %eq3A_497, %eq3A_498 : vector<640x128xf32>
    %and3A_500 = vector.broadcast %slice3A_490 : vector<1x128xi1> to vector<640x128xi1>
    %and3A_501 = arith.andi %eq3A_499, %and3A_500 : vector<640x128xi1>
    %jit3A_502 = arith.constant 0.000000e+00 : f32
    %broadcast_in_dim3A_503 = vector.shape_cast %slice3A_491 : vector<1x128xf32> to vector<1x128xf32>
    %broadcast_in_dim3A_504 = vector.broadcast %broadcast_in_dim3A_503 : vector<1x128xf32> to vector<640x128xf32>
    %broadcast_in_dim3A_505 = vector.broadcast %jit3A_502 : f32 to vector<640x128xf32>
    %select_n3A_506 = arith.select %and3A_501, %broadcast_in_dim3A_504, %broadcast_in_dim3A_505 : vector<640x128xi1>, vector<640x128xf32>
    %add3A_507 = arith.addf %add3A_482, %select_n3A_506 : vector<640x128xf32>
    %jit3A_508 = arith.constant 0.000000e+00 : f32
    %broadcast_in_dim3A_509 = vector.shape_cast %convert_element_type3A_496 : vector<1x128xf32> to vector<1x128xf32>
    %broadcast_in_dim3A_510 = vector.broadcast %broadcast_in_dim3A_509 : vector<1x128xf32> to vector<640x128xf32>
    %broadcast_in_dim3A_511 = vector.broadcast %jit3A_508 : f32 to vector<640x128xf32>
    %select_n3A_512 = arith.select %and3A_501, %broadcast_in_dim3A_510, %broadcast_in_dim3A_511 : vector<640x128xi1>, vector<640x128xf32>
    %add3A_513 = arith.addf %add3A_488, %select_n3A_512 : vector<640x128xf32>
    %slice3A_514 = vector.extract_strided_slice %sub3A_60 {offsets = [18, 0], sizes = [1, 128], strides = [1, 1]} : vector<32x128xf32> to vector<1x128xf32>
    %slice3A_515 = vector.extract_strided_slice %or3A {offsets = [18, 0], sizes = [1, 128], strides = [1, 1]} : vector<32x128xi1> to vector<1x128xi1>
    %slice3A_516 = vector.extract_strided_slice %get3A_3 {offsets = [18, 0], sizes = [1, 128], strides = [1, 1]} : vector<32x128xf32> to vector<1x128xf32>
    %iota3A_517 = tpu.iota {dimensions = array<i32: 1>} : vector<1x128xi32>
    %add3A_518 = arith.constant 2304 : i32
    %add3A_519 = vector.broadcast %add3A_518 : i32 to vector<1x128xi32>
    %add3A_520 = arith.addi %iota3A_517, %add3A_519 : vector<1x128xi32>
    %convert_element_type3A_521 = arith.sitofp %add3A_520 : vector<1x128xi32> to vector<1x128xf32>
    %eq3A_522 = vector.broadcast %slice3A_514 : vector<1x128xf32> to vector<640x128xf32>
    %eq3A_523 = vector.broadcast %convert_element_type3A_62 : vector<640x1xf32> to vector<640x128xf32>
    %eq3A_524 = arith.cmpf oeq, %eq3A_522, %eq3A_523 : vector<640x128xf32>
    %and3A_525 = vector.broadcast %slice3A_515 : vector<1x128xi1> to vector<640x128xi1>
    %and3A_526 = arith.andi %eq3A_524, %and3A_525 : vector<640x128xi1>
    %jit3A_527 = arith.constant 0.000000e+00 : f32
    %broadcast_in_dim3A_528 = vector.shape_cast %slice3A_516 : vector<1x128xf32> to vector<1x128xf32>
    %broadcast_in_dim3A_529 = vector.broadcast %broadcast_in_dim3A_528 : vector<1x128xf32> to vector<640x128xf32>
    %broadcast_in_dim3A_530 = vector.broadcast %jit3A_527 : f32 to vector<640x128xf32>
    %select_n3A_531 = arith.select %and3A_526, %broadcast_in_dim3A_529, %broadcast_in_dim3A_530 : vector<640x128xi1>, vector<640x128xf32>
    %add3A_532 = arith.addf %add3A_507, %select_n3A_531 : vector<640x128xf32>
    %jit3A_533 = arith.constant 0.000000e+00 : f32
    %broadcast_in_dim3A_534 = vector.shape_cast %convert_element_type3A_521 : vector<1x128xf32> to vector<1x128xf32>
    %broadcast_in_dim3A_535 = vector.broadcast %broadcast_in_dim3A_534 : vector<1x128xf32> to vector<640x128xf32>
    %broadcast_in_dim3A_536 = vector.broadcast %jit3A_533 : f32 to vector<640x128xf32>
    %select_n3A_537 = arith.select %and3A_526, %broadcast_in_dim3A_535, %broadcast_in_dim3A_536 : vector<640x128xi1>, vector<640x128xf32>
    %add3A_538 = arith.addf %add3A_513, %select_n3A_537 : vector<640x128xf32>
    %slice3A_539 = vector.extract_strided_slice %sub3A_60 {offsets = [19, 0], sizes = [1, 128], strides = [1, 1]} : vector<32x128xf32> to vector<1x128xf32>
    %slice3A_540 = vector.extract_strided_slice %or3A {offsets = [19, 0], sizes = [1, 128], strides = [1, 1]} : vector<32x128xi1> to vector<1x128xi1>
    %slice3A_541 = vector.extract_strided_slice %get3A_3 {offsets = [19, 0], sizes = [1, 128], strides = [1, 1]} : vector<32x128xf32> to vector<1x128xf32>
    %iota3A_542 = tpu.iota {dimensions = array<i32: 1>} : vector<1x128xi32>
    %add3A_543 = arith.constant 2432 : i32
    %add3A_544 = vector.broadcast %add3A_543 : i32 to vector<1x128xi32>
    %add3A_545 = arith.addi %iota3A_542, %add3A_544 : vector<1x128xi32>
    %convert_element_type3A_546 = arith.sitofp %add3A_545 : vector<1x128xi32> to vector<1x128xf32>
    %eq3A_547 = vector.broadcast %slice3A_539 : vector<1x128xf32> to vector<640x128xf32>
    %eq3A_548 = vector.broadcast %convert_element_type3A_62 : vector<640x1xf32> to vector<640x128xf32>
    %eq3A_549 = arith.cmpf oeq, %eq3A_547, %eq3A_548 : vector<640x128xf32>
    %and3A_550 = vector.broadcast %slice3A_540 : vector<1x128xi1> to vector<640x128xi1>
    %and3A_551 = arith.andi %eq3A_549, %and3A_550 : vector<640x128xi1>
    %jit3A_552 = arith.constant 0.000000e+00 : f32
    %broadcast_in_dim3A_553 = vector.shape_cast %slice3A_541 : vector<1x128xf32> to vector<1x128xf32>
    %broadcast_in_dim3A_554 = vector.broadcast %broadcast_in_dim3A_553 : vector<1x128xf32> to vector<640x128xf32>
    %broadcast_in_dim3A_555 = vector.broadcast %jit3A_552 : f32 to vector<640x128xf32>
    %select_n3A_556 = arith.select %and3A_551, %broadcast_in_dim3A_554, %broadcast_in_dim3A_555 : vector<640x128xi1>, vector<640x128xf32>
    %add3A_557 = arith.addf %add3A_532, %select_n3A_556 : vector<640x128xf32>
    %jit3A_558 = arith.constant 0.000000e+00 : f32
    %broadcast_in_dim3A_559 = vector.shape_cast %convert_element_type3A_546 : vector<1x128xf32> to vector<1x128xf32>
    %broadcast_in_dim3A_560 = vector.broadcast %broadcast_in_dim3A_559 : vector<1x128xf32> to vector<640x128xf32>
    %broadcast_in_dim3A_561 = vector.broadcast %jit3A_558 : f32 to vector<640x128xf32>
    %select_n3A_562 = arith.select %and3A_551, %broadcast_in_dim3A_560, %broadcast_in_dim3A_561 : vector<640x128xi1>, vector<640x128xf32>
    %add3A_563 = arith.addf %add3A_538, %select_n3A_562 : vector<640x128xf32>
    %slice3A_564 = vector.extract_strided_slice %sub3A_60 {offsets = [20, 0], sizes = [1, 128], strides = [1, 1]} : vector<32x128xf32> to vector<1x128xf32>
    %slice3A_565 = vector.extract_strided_slice %or3A {offsets = [20, 0], sizes = [1, 128], strides = [1, 1]} : vector<32x128xi1> to vector<1x128xi1>
    %slice3A_566 = vector.extract_strided_slice %get3A_3 {offsets = [20, 0], sizes = [1, 128], strides = [1, 1]} : vector<32x128xf32> to vector<1x128xf32>
    %iota3A_567 = tpu.iota {dimensions = array<i32: 1>} : vector<1x128xi32>
    %add3A_568 = arith.constant 2560 : i32
    %add3A_569 = vector.broadcast %add3A_568 : i32 to vector<1x128xi32>
    %add3A_570 = arith.addi %iota3A_567, %add3A_569 : vector<1x128xi32>
    %convert_element_type3A_571 = arith.sitofp %add3A_570 : vector<1x128xi32> to vector<1x128xf32>
    %eq3A_572 = vector.broadcast %slice3A_564 : vector<1x128xf32> to vector<640x128xf32>
    %eq3A_573 = vector.broadcast %convert_element_type3A_62 : vector<640x1xf32> to vector<640x128xf32>
    %eq3A_574 = arith.cmpf oeq, %eq3A_572, %eq3A_573 : vector<640x128xf32>
    %and3A_575 = vector.broadcast %slice3A_565 : vector<1x128xi1> to vector<640x128xi1>
    %and3A_576 = arith.andi %eq3A_574, %and3A_575 : vector<640x128xi1>
    %jit3A_577 = arith.constant 0.000000e+00 : f32
    %broadcast_in_dim3A_578 = vector.shape_cast %slice3A_566 : vector<1x128xf32> to vector<1x128xf32>
    %broadcast_in_dim3A_579 = vector.broadcast %broadcast_in_dim3A_578 : vector<1x128xf32> to vector<640x128xf32>
    %broadcast_in_dim3A_580 = vector.broadcast %jit3A_577 : f32 to vector<640x128xf32>
    %select_n3A_581 = arith.select %and3A_576, %broadcast_in_dim3A_579, %broadcast_in_dim3A_580 : vector<640x128xi1>, vector<640x128xf32>
    %add3A_582 = arith.addf %add3A_557, %select_n3A_581 : vector<640x128xf32>
    %jit3A_583 = arith.constant 0.000000e+00 : f32
    %broadcast_in_dim3A_584 = vector.shape_cast %convert_element_type3A_571 : vector<1x128xf32> to vector<1x128xf32>
    %broadcast_in_dim3A_585 = vector.broadcast %broadcast_in_dim3A_584 : vector<1x128xf32> to vector<640x128xf32>
    %broadcast_in_dim3A_586 = vector.broadcast %jit3A_583 : f32 to vector<640x128xf32>
    %select_n3A_587 = arith.select %and3A_576, %broadcast_in_dim3A_585, %broadcast_in_dim3A_586 : vector<640x128xi1>, vector<640x128xf32>
    %add3A_588 = arith.addf %add3A_563, %select_n3A_587 : vector<640x128xf32>
    %slice3A_589 = vector.extract_strided_slice %sub3A_60 {offsets = [21, 0], sizes = [1, 128], strides = [1, 1]} : vector<32x128xf32> to vector<1x128xf32>
    %slice3A_590 = vector.extract_strided_slice %or3A {offsets = [21, 0], sizes = [1, 128], strides = [1, 1]} : vector<32x128xi1> to vector<1x128xi1>
    %slice3A_591 = vector.extract_strided_slice %get3A_3 {offsets = [21, 0], sizes = [1, 128], strides = [1, 1]} : vector<32x128xf32> to vector<1x128xf32>
    %iota3A_592 = tpu.iota {dimensions = array<i32: 1>} : vector<1x128xi32>
    %add3A_593 = arith.constant 2688 : i32
    %add3A_594 = vector.broadcast %add3A_593 : i32 to vector<1x128xi32>
    %add3A_595 = arith.addi %iota3A_592, %add3A_594 : vector<1x128xi32>
    %convert_element_type3A_596 = arith.sitofp %add3A_595 : vector<1x128xi32> to vector<1x128xf32>
    %eq3A_597 = vector.broadcast %slice3A_589 : vector<1x128xf32> to vector<640x128xf32>
    %eq3A_598 = vector.broadcast %convert_element_type3A_62 : vector<640x1xf32> to vector<640x128xf32>
    %eq3A_599 = arith.cmpf oeq, %eq3A_597, %eq3A_598 : vector<640x128xf32>
    %and3A_600 = vector.broadcast %slice3A_590 : vector<1x128xi1> to vector<640x128xi1>
    %and3A_601 = arith.andi %eq3A_599, %and3A_600 : vector<640x128xi1>
    %jit3A_602 = arith.constant 0.000000e+00 : f32
    %broadcast_in_dim3A_603 = vector.shape_cast %slice3A_591 : vector<1x128xf32> to vector<1x128xf32>
    %broadcast_in_dim3A_604 = vector.broadcast %broadcast_in_dim3A_603 : vector<1x128xf32> to vector<640x128xf32>
    %broadcast_in_dim3A_605 = vector.broadcast %jit3A_602 : f32 to vector<640x128xf32>
    %select_n3A_606 = arith.select %and3A_601, %broadcast_in_dim3A_604, %broadcast_in_dim3A_605 : vector<640x128xi1>, vector<640x128xf32>
    %add3A_607 = arith.addf %add3A_582, %select_n3A_606 : vector<640x128xf32>
    %jit3A_608 = arith.constant 0.000000e+00 : f32
    %broadcast_in_dim3A_609 = vector.shape_cast %convert_element_type3A_596 : vector<1x128xf32> to vector<1x128xf32>
    %broadcast_in_dim3A_610 = vector.broadcast %broadcast_in_dim3A_609 : vector<1x128xf32> to vector<640x128xf32>
    %broadcast_in_dim3A_611 = vector.broadcast %jit3A_608 : f32 to vector<640x128xf32>
    %select_n3A_612 = arith.select %and3A_601, %broadcast_in_dim3A_610, %broadcast_in_dim3A_611 : vector<640x128xi1>, vector<640x128xf32>
    %add3A_613 = arith.addf %add3A_588, %select_n3A_612 : vector<640x128xf32>
    %slice3A_614 = vector.extract_strided_slice %sub3A_60 {offsets = [22, 0], sizes = [1, 128], strides = [1, 1]} : vector<32x128xf32> to vector<1x128xf32>
    %slice3A_615 = vector.extract_strided_slice %or3A {offsets = [22, 0], sizes = [1, 128], strides = [1, 1]} : vector<32x128xi1> to vector<1x128xi1>
    %slice3A_616 = vector.extract_strided_slice %get3A_3 {offsets = [22, 0], sizes = [1, 128], strides = [1, 1]} : vector<32x128xf32> to vector<1x128xf32>
    %iota3A_617 = tpu.iota {dimensions = array<i32: 1>} : vector<1x128xi32>
    %add3A_618 = arith.constant 2816 : i32
    %add3A_619 = vector.broadcast %add3A_618 : i32 to vector<1x128xi32>
    %add3A_620 = arith.addi %iota3A_617, %add3A_619 : vector<1x128xi32>
    %convert_element_type3A_621 = arith.sitofp %add3A_620 : vector<1x128xi32> to vector<1x128xf32>
    %eq3A_622 = vector.broadcast %slice3A_614 : vector<1x128xf32> to vector<640x128xf32>
    %eq3A_623 = vector.broadcast %convert_element_type3A_62 : vector<640x1xf32> to vector<640x128xf32>
    %eq3A_624 = arith.cmpf oeq, %eq3A_622, %eq3A_623 : vector<640x128xf32>
    %and3A_625 = vector.broadcast %slice3A_615 : vector<1x128xi1> to vector<640x128xi1>
    %and3A_626 = arith.andi %eq3A_624, %and3A_625 : vector<640x128xi1>
    %jit3A_627 = arith.constant 0.000000e+00 : f32
    %broadcast_in_dim3A_628 = vector.shape_cast %slice3A_616 : vector<1x128xf32> to vector<1x128xf32>
    %broadcast_in_dim3A_629 = vector.broadcast %broadcast_in_dim3A_628 : vector<1x128xf32> to vector<640x128xf32>
    %broadcast_in_dim3A_630 = vector.broadcast %jit3A_627 : f32 to vector<640x128xf32>
    %select_n3A_631 = arith.select %and3A_626, %broadcast_in_dim3A_629, %broadcast_in_dim3A_630 : vector<640x128xi1>, vector<640x128xf32>
    %add3A_632 = arith.addf %add3A_607, %select_n3A_631 : vector<640x128xf32>
    %jit3A_633 = arith.constant 0.000000e+00 : f32
    %broadcast_in_dim3A_634 = vector.shape_cast %convert_element_type3A_621 : vector<1x128xf32> to vector<1x128xf32>
    %broadcast_in_dim3A_635 = vector.broadcast %broadcast_in_dim3A_634 : vector<1x128xf32> to vector<640x128xf32>
    %broadcast_in_dim3A_636 = vector.broadcast %jit3A_633 : f32 to vector<640x128xf32>
    %select_n3A_637 = arith.select %and3A_626, %broadcast_in_dim3A_635, %broadcast_in_dim3A_636 : vector<640x128xi1>, vector<640x128xf32>
    %add3A_638 = arith.addf %add3A_613, %select_n3A_637 : vector<640x128xf32>
    %slice3A_639 = vector.extract_strided_slice %sub3A_60 {offsets = [23, 0], sizes = [1, 128], strides = [1, 1]} : vector<32x128xf32> to vector<1x128xf32>
    %slice3A_640 = vector.extract_strided_slice %or3A {offsets = [23, 0], sizes = [1, 128], strides = [1, 1]} : vector<32x128xi1> to vector<1x128xi1>
    %slice3A_641 = vector.extract_strided_slice %get3A_3 {offsets = [23, 0], sizes = [1, 128], strides = [1, 1]} : vector<32x128xf32> to vector<1x128xf32>
    %iota3A_642 = tpu.iota {dimensions = array<i32: 1>} : vector<1x128xi32>
    %add3A_643 = arith.constant 2944 : i32
    %add3A_644 = vector.broadcast %add3A_643 : i32 to vector<1x128xi32>
    %add3A_645 = arith.addi %iota3A_642, %add3A_644 : vector<1x128xi32>
    %convert_element_type3A_646 = arith.sitofp %add3A_645 : vector<1x128xi32> to vector<1x128xf32>
    %eq3A_647 = vector.broadcast %slice3A_639 : vector<1x128xf32> to vector<640x128xf32>
    %eq3A_648 = vector.broadcast %convert_element_type3A_62 : vector<640x1xf32> to vector<640x128xf32>
    %eq3A_649 = arith.cmpf oeq, %eq3A_647, %eq3A_648 : vector<640x128xf32>
    %and3A_650 = vector.broadcast %slice3A_640 : vector<1x128xi1> to vector<640x128xi1>
    %and3A_651 = arith.andi %eq3A_649, %and3A_650 : vector<640x128xi1>
    %jit3A_652 = arith.constant 0.000000e+00 : f32
    %broadcast_in_dim3A_653 = vector.shape_cast %slice3A_641 : vector<1x128xf32> to vector<1x128xf32>
    %broadcast_in_dim3A_654 = vector.broadcast %broadcast_in_dim3A_653 : vector<1x128xf32> to vector<640x128xf32>
    %broadcast_in_dim3A_655 = vector.broadcast %jit3A_652 : f32 to vector<640x128xf32>
    %select_n3A_656 = arith.select %and3A_651, %broadcast_in_dim3A_654, %broadcast_in_dim3A_655 : vector<640x128xi1>, vector<640x128xf32>
    %add3A_657 = arith.addf %add3A_632, %select_n3A_656 : vector<640x128xf32>
    %jit3A_658 = arith.constant 0.000000e+00 : f32
    %broadcast_in_dim3A_659 = vector.shape_cast %convert_element_type3A_646 : vector<1x128xf32> to vector<1x128xf32>
    %broadcast_in_dim3A_660 = vector.broadcast %broadcast_in_dim3A_659 : vector<1x128xf32> to vector<640x128xf32>
    %broadcast_in_dim3A_661 = vector.broadcast %jit3A_658 : f32 to vector<640x128xf32>
    %select_n3A_662 = arith.select %and3A_651, %broadcast_in_dim3A_660, %broadcast_in_dim3A_661 : vector<640x128xi1>, vector<640x128xf32>
    %add3A_663 = arith.addf %add3A_638, %select_n3A_662 : vector<640x128xf32>
    %slice3A_664 = vector.extract_strided_slice %sub3A_60 {offsets = [24, 0], sizes = [1, 128], strides = [1, 1]} : vector<32x128xf32> to vector<1x128xf32>
    %slice3A_665 = vector.extract_strided_slice %or3A {offsets = [24, 0], sizes = [1, 128], strides = [1, 1]} : vector<32x128xi1> to vector<1x128xi1>
    %slice3A_666 = vector.extract_strided_slice %get3A_3 {offsets = [24, 0], sizes = [1, 128], strides = [1, 1]} : vector<32x128xf32> to vector<1x128xf32>
    %iota3A_667 = tpu.iota {dimensions = array<i32: 1>} : vector<1x128xi32>
    %add3A_668 = arith.constant 3072 : i32
    %add3A_669 = vector.broadcast %add3A_668 : i32 to vector<1x128xi32>
    %add3A_670 = arith.addi %iota3A_667, %add3A_669 : vector<1x128xi32>
    %convert_element_type3A_671 = arith.sitofp %add3A_670 : vector<1x128xi32> to vector<1x128xf32>
    %eq3A_672 = vector.broadcast %slice3A_664 : vector<1x128xf32> to vector<640x128xf32>
    %eq3A_673 = vector.broadcast %convert_element_type3A_62 : vector<640x1xf32> to vector<640x128xf32>
    %eq3A_674 = arith.cmpf oeq, %eq3A_672, %eq3A_673 : vector<640x128xf32>
    %and3A_675 = vector.broadcast %slice3A_665 : vector<1x128xi1> to vector<640x128xi1>
    %and3A_676 = arith.andi %eq3A_674, %and3A_675 : vector<640x128xi1>
    %jit3A_677 = arith.constant 0.000000e+00 : f32
    %broadcast_in_dim3A_678 = vector.shape_cast %slice3A_666 : vector<1x128xf32> to vector<1x128xf32>
    %broadcast_in_dim3A_679 = vector.broadcast %broadcast_in_dim3A_678 : vector<1x128xf32> to vector<640x128xf32>
    %broadcast_in_dim3A_680 = vector.broadcast %jit3A_677 : f32 to vector<640x128xf32>
    %select_n3A_681 = arith.select %and3A_676, %broadcast_in_dim3A_679, %broadcast_in_dim3A_680 : vector<640x128xi1>, vector<640x128xf32>
    %add3A_682 = arith.addf %add3A_657, %select_n3A_681 : vector<640x128xf32>
    %jit3A_683 = arith.constant 0.000000e+00 : f32
    %broadcast_in_dim3A_684 = vector.shape_cast %convert_element_type3A_671 : vector<1x128xf32> to vector<1x128xf32>
    %broadcast_in_dim3A_685 = vector.broadcast %broadcast_in_dim3A_684 : vector<1x128xf32> to vector<640x128xf32>
    %broadcast_in_dim3A_686 = vector.broadcast %jit3A_683 : f32 to vector<640x128xf32>
    %select_n3A_687 = arith.select %and3A_676, %broadcast_in_dim3A_685, %broadcast_in_dim3A_686 : vector<640x128xi1>, vector<640x128xf32>
    %add3A_688 = arith.addf %add3A_663, %select_n3A_687 : vector<640x128xf32>
    %slice3A_689 = vector.extract_strided_slice %sub3A_60 {offsets = [25, 0], sizes = [1, 128], strides = [1, 1]} : vector<32x128xf32> to vector<1x128xf32>
    %slice3A_690 = vector.extract_strided_slice %or3A {offsets = [25, 0], sizes = [1, 128], strides = [1, 1]} : vector<32x128xi1> to vector<1x128xi1>
    %slice3A_691 = vector.extract_strided_slice %get3A_3 {offsets = [25, 0], sizes = [1, 128], strides = [1, 1]} : vector<32x128xf32> to vector<1x128xf32>
    %iota3A_692 = tpu.iota {dimensions = array<i32: 1>} : vector<1x128xi32>
    %add3A_693 = arith.constant 3200 : i32
    %add3A_694 = vector.broadcast %add3A_693 : i32 to vector<1x128xi32>
    %add3A_695 = arith.addi %iota3A_692, %add3A_694 : vector<1x128xi32>
    %convert_element_type3A_696 = arith.sitofp %add3A_695 : vector<1x128xi32> to vector<1x128xf32>
    %eq3A_697 = vector.broadcast %slice3A_689 : vector<1x128xf32> to vector<640x128xf32>
    %eq3A_698 = vector.broadcast %convert_element_type3A_62 : vector<640x1xf32> to vector<640x128xf32>
    %eq3A_699 = arith.cmpf oeq, %eq3A_697, %eq3A_698 : vector<640x128xf32>
    %and3A_700 = vector.broadcast %slice3A_690 : vector<1x128xi1> to vector<640x128xi1>
    %and3A_701 = arith.andi %eq3A_699, %and3A_700 : vector<640x128xi1>
    %jit3A_702 = arith.constant 0.000000e+00 : f32
    %broadcast_in_dim3A_703 = vector.shape_cast %slice3A_691 : vector<1x128xf32> to vector<1x128xf32>
    %broadcast_in_dim3A_704 = vector.broadcast %broadcast_in_dim3A_703 : vector<1x128xf32> to vector<640x128xf32>
    %broadcast_in_dim3A_705 = vector.broadcast %jit3A_702 : f32 to vector<640x128xf32>
    %select_n3A_706 = arith.select %and3A_701, %broadcast_in_dim3A_704, %broadcast_in_dim3A_705 : vector<640x128xi1>, vector<640x128xf32>
    %add3A_707 = arith.addf %add3A_682, %select_n3A_706 : vector<640x128xf32>
    %jit3A_708 = arith.constant 0.000000e+00 : f32
    %broadcast_in_dim3A_709 = vector.shape_cast %convert_element_type3A_696 : vector<1x128xf32> to vector<1x128xf32>
    %broadcast_in_dim3A_710 = vector.broadcast %broadcast_in_dim3A_709 : vector<1x128xf32> to vector<640x128xf32>
    %broadcast_in_dim3A_711 = vector.broadcast %jit3A_708 : f32 to vector<640x128xf32>
    %select_n3A_712 = arith.select %and3A_701, %broadcast_in_dim3A_710, %broadcast_in_dim3A_711 : vector<640x128xi1>, vector<640x128xf32>
    %add3A_713 = arith.addf %add3A_688, %select_n3A_712 : vector<640x128xf32>
    %slice3A_714 = vector.extract_strided_slice %sub3A_60 {offsets = [26, 0], sizes = [1, 128], strides = [1, 1]} : vector<32x128xf32> to vector<1x128xf32>
    %slice3A_715 = vector.extract_strided_slice %or3A {offsets = [26, 0], sizes = [1, 128], strides = [1, 1]} : vector<32x128xi1> to vector<1x128xi1>
    %slice3A_716 = vector.extract_strided_slice %get3A_3 {offsets = [26, 0], sizes = [1, 128], strides = [1, 1]} : vector<32x128xf32> to vector<1x128xf32>
    %iota3A_717 = tpu.iota {dimensions = array<i32: 1>} : vector<1x128xi32>
    %add3A_718 = arith.constant 3328 : i32
    %add3A_719 = vector.broadcast %add3A_718 : i32 to vector<1x128xi32>
    %add3A_720 = arith.addi %iota3A_717, %add3A_719 : vector<1x128xi32>
    %convert_element_type3A_721 = arith.sitofp %add3A_720 : vector<1x128xi32> to vector<1x128xf32>
    %eq3A_722 = vector.broadcast %slice3A_714 : vector<1x128xf32> to vector<640x128xf32>
    %eq3A_723 = vector.broadcast %convert_element_type3A_62 : vector<640x1xf32> to vector<640x128xf32>
    %eq3A_724 = arith.cmpf oeq, %eq3A_722, %eq3A_723 : vector<640x128xf32>
    %and3A_725 = vector.broadcast %slice3A_715 : vector<1x128xi1> to vector<640x128xi1>
    %and3A_726 = arith.andi %eq3A_724, %and3A_725 : vector<640x128xi1>
    %jit3A_727 = arith.constant 0.000000e+00 : f32
    %broadcast_in_dim3A_728 = vector.shape_cast %slice3A_716 : vector<1x128xf32> to vector<1x128xf32>
    %broadcast_in_dim3A_729 = vector.broadcast %broadcast_in_dim3A_728 : vector<1x128xf32> to vector<640x128xf32>
    %broadcast_in_dim3A_730 = vector.broadcast %jit3A_727 : f32 to vector<640x128xf32>
    %select_n3A_731 = arith.select %and3A_726, %broadcast_in_dim3A_729, %broadcast_in_dim3A_730 : vector<640x128xi1>, vector<640x128xf32>
    %add3A_732 = arith.addf %add3A_707, %select_n3A_731 : vector<640x128xf32>
    %jit3A_733 = arith.constant 0.000000e+00 : f32
    %broadcast_in_dim3A_734 = vector.shape_cast %convert_element_type3A_721 : vector<1x128xf32> to vector<1x128xf32>
    %broadcast_in_dim3A_735 = vector.broadcast %broadcast_in_dim3A_734 : vector<1x128xf32> to vector<640x128xf32>
    %broadcast_in_dim3A_736 = vector.broadcast %jit3A_733 : f32 to vector<640x128xf32>
    %select_n3A_737 = arith.select %and3A_726, %broadcast_in_dim3A_735, %broadcast_in_dim3A_736 : vector<640x128xi1>, vector<640x128xf32>
    %add3A_738 = arith.addf %add3A_713, %select_n3A_737 : vector<640x128xf32>
    %slice3A_739 = vector.extract_strided_slice %sub3A_60 {offsets = [27, 0], sizes = [1, 128], strides = [1, 1]} : vector<32x128xf32> to vector<1x128xf32>
    %slice3A_740 = vector.extract_strided_slice %or3A {offsets = [27, 0], sizes = [1, 128], strides = [1, 1]} : vector<32x128xi1> to vector<1x128xi1>
    %slice3A_741 = vector.extract_strided_slice %get3A_3 {offsets = [27, 0], sizes = [1, 128], strides = [1, 1]} : vector<32x128xf32> to vector<1x128xf32>
    %iota3A_742 = tpu.iota {dimensions = array<i32: 1>} : vector<1x128xi32>
    %add3A_743 = arith.constant 3456 : i32
    %add3A_744 = vector.broadcast %add3A_743 : i32 to vector<1x128xi32>
    %add3A_745 = arith.addi %iota3A_742, %add3A_744 : vector<1x128xi32>
    %convert_element_type3A_746 = arith.sitofp %add3A_745 : vector<1x128xi32> to vector<1x128xf32>
    %eq3A_747 = vector.broadcast %slice3A_739 : vector<1x128xf32> to vector<640x128xf32>
    %eq3A_748 = vector.broadcast %convert_element_type3A_62 : vector<640x1xf32> to vector<640x128xf32>
    %eq3A_749 = arith.cmpf oeq, %eq3A_747, %eq3A_748 : vector<640x128xf32>
    %and3A_750 = vector.broadcast %slice3A_740 : vector<1x128xi1> to vector<640x128xi1>
    %and3A_751 = arith.andi %eq3A_749, %and3A_750 : vector<640x128xi1>
    %jit3A_752 = arith.constant 0.000000e+00 : f32
    %broadcast_in_dim3A_753 = vector.shape_cast %slice3A_741 : vector<1x128xf32> to vector<1x128xf32>
    %broadcast_in_dim3A_754 = vector.broadcast %broadcast_in_dim3A_753 : vector<1x128xf32> to vector<640x128xf32>
    %broadcast_in_dim3A_755 = vector.broadcast %jit3A_752 : f32 to vector<640x128xf32>
    %select_n3A_756 = arith.select %and3A_751, %broadcast_in_dim3A_754, %broadcast_in_dim3A_755 : vector<640x128xi1>, vector<640x128xf32>
    %add3A_757 = arith.addf %add3A_732, %select_n3A_756 : vector<640x128xf32>
    %jit3A_758 = arith.constant 0.000000e+00 : f32
    %broadcast_in_dim3A_759 = vector.shape_cast %convert_element_type3A_746 : vector<1x128xf32> to vector<1x128xf32>
    %broadcast_in_dim3A_760 = vector.broadcast %broadcast_in_dim3A_759 : vector<1x128xf32> to vector<640x128xf32>
    %broadcast_in_dim3A_761 = vector.broadcast %jit3A_758 : f32 to vector<640x128xf32>
    %select_n3A_762 = arith.select %and3A_751, %broadcast_in_dim3A_760, %broadcast_in_dim3A_761 : vector<640x128xi1>, vector<640x128xf32>
    %add3A_763 = arith.addf %add3A_738, %select_n3A_762 : vector<640x128xf32>
    %slice3A_764 = vector.extract_strided_slice %sub3A_60 {offsets = [28, 0], sizes = [1, 128], strides = [1, 1]} : vector<32x128xf32> to vector<1x128xf32>
    %slice3A_765 = vector.extract_strided_slice %or3A {offsets = [28, 0], sizes = [1, 128], strides = [1, 1]} : vector<32x128xi1> to vector<1x128xi1>
    %slice3A_766 = vector.extract_strided_slice %get3A_3 {offsets = [28, 0], sizes = [1, 128], strides = [1, 1]} : vector<32x128xf32> to vector<1x128xf32>
    %iota3A_767 = tpu.iota {dimensions = array<i32: 1>} : vector<1x128xi32>
    %add3A_768 = arith.constant 3584 : i32
    %add3A_769 = vector.broadcast %add3A_768 : i32 to vector<1x128xi32>
    %add3A_770 = arith.addi %iota3A_767, %add3A_769 : vector<1x128xi32>
    %convert_element_type3A_771 = arith.sitofp %add3A_770 : vector<1x128xi32> to vector<1x128xf32>
    %eq3A_772 = vector.broadcast %slice3A_764 : vector<1x128xf32> to vector<640x128xf32>
    %eq3A_773 = vector.broadcast %convert_element_type3A_62 : vector<640x1xf32> to vector<640x128xf32>
    %eq3A_774 = arith.cmpf oeq, %eq3A_772, %eq3A_773 : vector<640x128xf32>
    %and3A_775 = vector.broadcast %slice3A_765 : vector<1x128xi1> to vector<640x128xi1>
    %and3A_776 = arith.andi %eq3A_774, %and3A_775 : vector<640x128xi1>
    %jit3A_777 = arith.constant 0.000000e+00 : f32
    %broadcast_in_dim3A_778 = vector.shape_cast %slice3A_766 : vector<1x128xf32> to vector<1x128xf32>
    %broadcast_in_dim3A_779 = vector.broadcast %broadcast_in_dim3A_778 : vector<1x128xf32> to vector<640x128xf32>
    %broadcast_in_dim3A_780 = vector.broadcast %jit3A_777 : f32 to vector<640x128xf32>
    %select_n3A_781 = arith.select %and3A_776, %broadcast_in_dim3A_779, %broadcast_in_dim3A_780 : vector<640x128xi1>, vector<640x128xf32>
    %add3A_782 = arith.addf %add3A_757, %select_n3A_781 : vector<640x128xf32>
    %jit3A_783 = arith.constant 0.000000e+00 : f32
    %broadcast_in_dim3A_784 = vector.shape_cast %convert_element_type3A_771 : vector<1x128xf32> to vector<1x128xf32>
    %broadcast_in_dim3A_785 = vector.broadcast %broadcast_in_dim3A_784 : vector<1x128xf32> to vector<640x128xf32>
    %broadcast_in_dim3A_786 = vector.broadcast %jit3A_783 : f32 to vector<640x128xf32>
    %select_n3A_787 = arith.select %and3A_776, %broadcast_in_dim3A_785, %broadcast_in_dim3A_786 : vector<640x128xi1>, vector<640x128xf32>
    %add3A_788 = arith.addf %add3A_763, %select_n3A_787 : vector<640x128xf32>
    %slice3A_789 = vector.extract_strided_slice %sub3A_60 {offsets = [29, 0], sizes = [1, 128], strides = [1, 1]} : vector<32x128xf32> to vector<1x128xf32>
    %slice3A_790 = vector.extract_strided_slice %or3A {offsets = [29, 0], sizes = [1, 128], strides = [1, 1]} : vector<32x128xi1> to vector<1x128xi1>
    %slice3A_791 = vector.extract_strided_slice %get3A_3 {offsets = [29, 0], sizes = [1, 128], strides = [1, 1]} : vector<32x128xf32> to vector<1x128xf32>
    %iota3A_792 = tpu.iota {dimensions = array<i32: 1>} : vector<1x128xi32>
    %add3A_793 = arith.constant 3712 : i32
    %add3A_794 = vector.broadcast %add3A_793 : i32 to vector<1x128xi32>
    %add3A_795 = arith.addi %iota3A_792, %add3A_794 : vector<1x128xi32>
    %convert_element_type3A_796 = arith.sitofp %add3A_795 : vector<1x128xi32> to vector<1x128xf32>
    %eq3A_797 = vector.broadcast %slice3A_789 : vector<1x128xf32> to vector<640x128xf32>
    %eq3A_798 = vector.broadcast %convert_element_type3A_62 : vector<640x1xf32> to vector<640x128xf32>
    %eq3A_799 = arith.cmpf oeq, %eq3A_797, %eq3A_798 : vector<640x128xf32>
    %and3A_800 = vector.broadcast %slice3A_790 : vector<1x128xi1> to vector<640x128xi1>
    %and3A_801 = arith.andi %eq3A_799, %and3A_800 : vector<640x128xi1>
    %jit3A_802 = arith.constant 0.000000e+00 : f32
    %broadcast_in_dim3A_803 = vector.shape_cast %slice3A_791 : vector<1x128xf32> to vector<1x128xf32>
    %broadcast_in_dim3A_804 = vector.broadcast %broadcast_in_dim3A_803 : vector<1x128xf32> to vector<640x128xf32>
    %broadcast_in_dim3A_805 = vector.broadcast %jit3A_802 : f32 to vector<640x128xf32>
    %select_n3A_806 = arith.select %and3A_801, %broadcast_in_dim3A_804, %broadcast_in_dim3A_805 : vector<640x128xi1>, vector<640x128xf32>
    %add3A_807 = arith.addf %add3A_782, %select_n3A_806 : vector<640x128xf32>
    %jit3A_808 = arith.constant 0.000000e+00 : f32
    %broadcast_in_dim3A_809 = vector.shape_cast %convert_element_type3A_796 : vector<1x128xf32> to vector<1x128xf32>
    %broadcast_in_dim3A_810 = vector.broadcast %broadcast_in_dim3A_809 : vector<1x128xf32> to vector<640x128xf32>
    %broadcast_in_dim3A_811 = vector.broadcast %jit3A_808 : f32 to vector<640x128xf32>
    %select_n3A_812 = arith.select %and3A_801, %broadcast_in_dim3A_810, %broadcast_in_dim3A_811 : vector<640x128xi1>, vector<640x128xf32>
    %add3A_813 = arith.addf %add3A_788, %select_n3A_812 : vector<640x128xf32>
    %slice3A_814 = vector.extract_strided_slice %sub3A_60 {offsets = [30, 0], sizes = [1, 128], strides = [1, 1]} : vector<32x128xf32> to vector<1x128xf32>
    %slice3A_815 = vector.extract_strided_slice %or3A {offsets = [30, 0], sizes = [1, 128], strides = [1, 1]} : vector<32x128xi1> to vector<1x128xi1>
    %slice3A_816 = vector.extract_strided_slice %get3A_3 {offsets = [30, 0], sizes = [1, 128], strides = [1, 1]} : vector<32x128xf32> to vector<1x128xf32>
    %iota3A_817 = tpu.iota {dimensions = array<i32: 1>} : vector<1x128xi32>
    %add3A_818 = arith.constant 3840 : i32
    %add3A_819 = vector.broadcast %add3A_818 : i32 to vector<1x128xi32>
    %add3A_820 = arith.addi %iota3A_817, %add3A_819 : vector<1x128xi32>
    %convert_element_type3A_821 = arith.sitofp %add3A_820 : vector<1x128xi32> to vector<1x128xf32>
    %eq3A_822 = vector.broadcast %slice3A_814 : vector<1x128xf32> to vector<640x128xf32>
    %eq3A_823 = vector.broadcast %convert_element_type3A_62 : vector<640x1xf32> to vector<640x128xf32>
    %eq3A_824 = arith.cmpf oeq, %eq3A_822, %eq3A_823 : vector<640x128xf32>
    %and3A_825 = vector.broadcast %slice3A_815 : vector<1x128xi1> to vector<640x128xi1>
    %and3A_826 = arith.andi %eq3A_824, %and3A_825 : vector<640x128xi1>
    %jit3A_827 = arith.constant 0.000000e+00 : f32
    %broadcast_in_dim3A_828 = vector.shape_cast %slice3A_816 : vector<1x128xf32> to vector<1x128xf32>
    %broadcast_in_dim3A_829 = vector.broadcast %broadcast_in_dim3A_828 : vector<1x128xf32> to vector<640x128xf32>
    %broadcast_in_dim3A_830 = vector.broadcast %jit3A_827 : f32 to vector<640x128xf32>
    %select_n3A_831 = arith.select %and3A_826, %broadcast_in_dim3A_829, %broadcast_in_dim3A_830 : vector<640x128xi1>, vector<640x128xf32>
    %add3A_832 = arith.addf %add3A_807, %select_n3A_831 : vector<640x128xf32>
    %jit3A_833 = arith.constant 0.000000e+00 : f32
    %broadcast_in_dim3A_834 = vector.shape_cast %convert_element_type3A_821 : vector<1x128xf32> to vector<1x128xf32>
    %broadcast_in_dim3A_835 = vector.broadcast %broadcast_in_dim3A_834 : vector<1x128xf32> to vector<640x128xf32>
    %broadcast_in_dim3A_836 = vector.broadcast %jit3A_833 : f32 to vector<640x128xf32>
    %select_n3A_837 = arith.select %and3A_826, %broadcast_in_dim3A_835, %broadcast_in_dim3A_836 : vector<640x128xi1>, vector<640x128xf32>
    %add3A_838 = arith.addf %add3A_813, %select_n3A_837 : vector<640x128xf32>
    %slice3A_839 = vector.extract_strided_slice %sub3A_60 {offsets = [31, 0], sizes = [1, 128], strides = [1, 1]} : vector<32x128xf32> to vector<1x128xf32>
    %slice3A_840 = vector.extract_strided_slice %or3A {offsets = [31, 0], sizes = [1, 128], strides = [1, 1]} : vector<32x128xi1> to vector<1x128xi1>
    %slice3A_841 = vector.extract_strided_slice %get3A_3 {offsets = [31, 0], sizes = [1, 128], strides = [1, 1]} : vector<32x128xf32> to vector<1x128xf32>
    %iota3A_842 = tpu.iota {dimensions = array<i32: 1>} : vector<1x128xi32>
    %add3A_843 = arith.constant 3968 : i32
    %add3A_844 = vector.broadcast %add3A_843 : i32 to vector<1x128xi32>
    %add3A_845 = arith.addi %iota3A_842, %add3A_844 : vector<1x128xi32>
    %convert_element_type3A_846 = arith.sitofp %add3A_845 : vector<1x128xi32> to vector<1x128xf32>
    %eq3A_847 = vector.broadcast %slice3A_839 : vector<1x128xf32> to vector<640x128xf32>
    %eq3A_848 = vector.broadcast %convert_element_type3A_62 : vector<640x1xf32> to vector<640x128xf32>
    %eq3A_849 = arith.cmpf oeq, %eq3A_847, %eq3A_848 : vector<640x128xf32>
    %and3A_850 = vector.broadcast %slice3A_840 : vector<1x128xi1> to vector<640x128xi1>
    %and3A_851 = arith.andi %eq3A_849, %and3A_850 : vector<640x128xi1>
    %jit3A_852 = arith.constant 0.000000e+00 : f32
    %broadcast_in_dim3A_853 = vector.shape_cast %slice3A_841 : vector<1x128xf32> to vector<1x128xf32>
    %broadcast_in_dim3A_854 = vector.broadcast %broadcast_in_dim3A_853 : vector<1x128xf32> to vector<640x128xf32>
    %broadcast_in_dim3A_855 = vector.broadcast %jit3A_852 : f32 to vector<640x128xf32>
    %select_n3A_856 = arith.select %and3A_851, %broadcast_in_dim3A_854, %broadcast_in_dim3A_855 : vector<640x128xi1>, vector<640x128xf32>
    %add3A_857 = arith.addf %add3A_832, %select_n3A_856 : vector<640x128xf32>
    %jit3A_858 = arith.constant 0.000000e+00 : f32
    %broadcast_in_dim3A_859 = vector.shape_cast %convert_element_type3A_846 : vector<1x128xf32> to vector<1x128xf32>
    %broadcast_in_dim3A_860 = vector.broadcast %broadcast_in_dim3A_859 : vector<1x128xf32> to vector<640x128xf32>
    %broadcast_in_dim3A_861 = vector.broadcast %jit3A_858 : f32 to vector<640x128xf32>
    %select_n3A_862 = arith.select %and3A_851, %broadcast_in_dim3A_860, %broadcast_in_dim3A_861 : vector<640x128xi1>, vector<640x128xf32>
    %add3A_863 = arith.addf %add3A_838, %select_n3A_862 : vector<640x128xf32>
    %reduce_sum3A_864 = arith.constant dense<0.000000e+00> : vector<640xf32>
    %reduce_sum3A_865 = vector.multi_reduction <add>, %add3A_857, %reduce_sum3A_864 [1] : vector<640x128xf32> to vector<640xf32>
    %broadcast_in_dim3A_866 = vector.shape_cast %reduce_sum3A_865 : vector<640xf32> to vector<640x1xf32>
    %reduce_sum3A_867 = arith.constant dense<0.000000e+00> : vector<640xf32>
    %reduce_sum3A_868 = vector.multi_reduction <add>, %add3A_863, %reduce_sum3A_867 [1] : vector<640x128xf32> to vector<640xf32>
    %broadcast_in_dim3A_869 = vector.shape_cast %reduce_sum3A_868 : vector<640xf32> to vector<640x1xf32>
    %transpose3A = tpu.transpose %broadcast_in_dim3A_866, [1, 0] : vector<640x1xf32> -> vector<1x640xf32>
    %transpose3A_870 = tpu.transpose %broadcast_in_dim3A_869, [1, 0] : vector<640x1xf32> -> vector<1x640xf32>
    %gt3A_871 = vector.broadcast %broadcast_in_dim3A_866 : vector<640x1xf32> to vector<640x640xf32>
    %gt3A_872 = vector.broadcast %transpose3A : vector<1x640xf32> to vector<640x640xf32>
    %gt3A_873 = arith.cmpf ogt, %gt3A_871, %gt3A_872 : vector<640x640xf32>
    %eq3A_874 = vector.broadcast %broadcast_in_dim3A_866 : vector<640x1xf32> to vector<640x640xf32>
    %eq3A_875 = vector.broadcast %transpose3A : vector<1x640xf32> to vector<640x640xf32>
    %eq3A_876 = arith.cmpf oeq, %eq3A_874, %eq3A_875 : vector<640x640xf32>
    %lt3A_877 = vector.broadcast %broadcast_in_dim3A_869 : vector<640x1xf32> to vector<640x640xf32>
    %lt3A_878 = vector.broadcast %transpose3A_870 : vector<1x640xf32> to vector<640x640xf32>
    %lt3A_879 = arith.cmpf olt, %lt3A_877, %lt3A_878 : vector<640x640xf32>
    %and3A_880 = arith.andi %eq3A_876, %lt3A_879 : vector<640x640xi1>
    %or3A_881 = arith.ori %gt3A_873, %and3A_880 : vector<640x640xi1>
    %convert_element_type3A_882 = arith.extui %or3A_881 : vector<640x640xi1> to vector<640x640xi32>
    %convert_element_type3A_883 = arith.sitofp %convert_element_type3A_882 : vector<640x640xi32> to vector<640x640xf32>
    %reduce_sum3A_884 = arith.constant dense<0.000000e+00> : vector<640xf32>
    %reduce_sum3A_885 = vector.multi_reduction <add>, %convert_element_type3A_883, %reduce_sum3A_884 [0] : vector<640x640xf32> to vector<640xf32>
    %broadcast_in_dim3A_886 = vector.shape_cast %reduce_sum3A_885 : vector<640xf32> to vector<1x640xf32>
    %transpose3A_887 = tpu.transpose %broadcast_in_dim3A_886, [1, 0] : vector<1x640xf32> -> vector<640x1xf32>
    %iota3A_888 = tpu.iota {dimensions = array<i32: 1>} : vector<1x640xi32>
    %convert_element_type3A_889 = arith.sitofp %iota3A_888 : vector<1x640xi32> to vector<1x640xf32>
    %eq3A_890 = vector.broadcast %transpose3A_887 : vector<640x1xf32> to vector<640x640xf32>
    %eq3A_891 = vector.broadcast %convert_element_type3A_889 : vector<1x640xf32> to vector<640x640xf32>
    %eq3A_892 = arith.cmpf oeq, %eq3A_890, %eq3A_891 : vector<640x640xf32>
    %jit3A_893 = arith.constant 0.000000e+00 : f32
    %broadcast_in_dim3A_894 = vector.shape_cast %broadcast_in_dim3A_866 : vector<640x1xf32> to vector<640x1xf32>
    %broadcast_in_dim3A_895 = vector.broadcast %broadcast_in_dim3A_894 : vector<640x1xf32> to vector<640x640xf32>
    %broadcast_in_dim3A_896 = vector.broadcast %jit3A_893 : f32 to vector<640x640xf32>
    %select_n3A_897 = arith.select %eq3A_892, %broadcast_in_dim3A_895, %broadcast_in_dim3A_896 : vector<640x640xi1>, vector<640x640xf32>
    %reduce_sum3A_898 = arith.constant dense<0.000000e+00> : vector<640xf32>
    %reduce_sum3A_899 = vector.multi_reduction <add>, %select_n3A_897, %reduce_sum3A_898 [0] : vector<640x640xf32> to vector<640xf32>
    %swap3A = arith.constant 0 : index
    %swap3A_900 = arith.constant 0 : index
    %swap3A_901 = arith.constant 0 : index
    %swap3A_902 = vector.load %arg2[%swap3A, %swap3A_900, %swap3A_901] : memref<1x1x640xf32, #tpu.memory_space<vmem>>, vector<1x1x640xf32>
    %swap3A_903 = vector.shape_cast %swap3A_902 : vector<1x1x640xf32> to vector<640xf32>
    %swap3A_904 = vector.shape_cast %reduce_sum3A_899 : vector<640xf32> to vector<1x1x640xf32>
    tpu.vector_store %arg2[%swap3A, %swap3A_900, %swap3A_901], %swap3A_904 {strides = array<i32>} : memref<1x1x640xf32, #tpu.memory_space<vmem>>, vector<1x1x640xf32>,
    %jit3A_905 = arith.constant 0.000000e+00 : f32
    %broadcast_in_dim3A_906 = vector.shape_cast %broadcast_in_dim3A_869 : vector<640x1xf32> to vector<640x1xf32>
    %broadcast_in_dim3A_907 = vector.broadcast %broadcast_in_dim3A_906 : vector<640x1xf32> to vector<640x640xf32>
    %broadcast_in_dim3A_908 = vector.broadcast %jit3A_905 : f32 to vector<640x640xf32>
    %select_n3A_909 = arith.select %eq3A_892, %broadcast_in_dim3A_907, %broadcast_in_dim3A_908 : vector<640x640xi1>, vector<640x640xf32>
    %reduce_sum3A_910 = arith.constant dense<0.000000e+00> : vector<640xf32>
    %reduce_sum3A_911 = vector.multi_reduction <add>, %select_n3A_909, %reduce_sum3A_910 [0] : vector<640x640xf32> to vector<640xf32>
    %convert_element_type3A_912 = arith.fptosi %reduce_sum3A_911 : vector<640xf32> to vector<640xi32>
    %swap3A_913 = arith.constant 0 : index
    %swap3A_914 = arith.constant 0 : index
    %swap3A_915 = arith.constant 0 : index
    %swap3A_916 = vector.load %arg3[%swap3A_913, %swap3A_914, %swap3A_915] : memref<1x1x640xi32, #tpu.memory_space<vmem>>, vector<1x1x640xi32>
    %swap3A_917 = vector.shape_cast %swap3A_916 : vector<1x1x640xi32> to vector<640xi32>
    %swap3A_918 = vector.shape_cast %convert_element_type3A_912 : vector<640xi32> to vector<1x1x640xi32>
    tpu.vector_store %arg3[%swap3A_913, %swap3A_914, %swap3A_915], %swap3A_918 {strides = array<i32>} : memref<1x1x640xi32, #tpu.memory_space<vmem>>, vector<1x1x640xi32>,
    return
  }
  func.func @transform_0(%arg0: i32) -> (i32, i32, i32) {
    %c0_i32 = arith.constant 0 : i32
    %c0_i32_0 = arith.constant 0 : i32
    %c0_i32_1 = arith.constant 0 : i32
    return %arg0, %c0_i32, %c0_i32_0 : i32, i32, i32
  }
  func.func @transform_1(%arg0: i32) -> (i32, i32, i32) {
    %c0_i32 = arith.constant 0 : i32
    %c0_i32_0 = arith.constant 0 : i32
    %c0_i32_1 = arith.constant 0 : i32
    return %arg0, %c0_i32, %c0_i32_0 : i32, i32, i32
  }
  func.func @transform_2(%arg0: i32) -> (i32, i32, i32) {
    %c0_i32 = arith.constant 0 : i32
    %c0_i32_0 = arith.constant 0 : i32
    %c0_i32_1 = arith.constant 0 : i32
    return %arg0, %c0_i32, %c0_i32_0 : i32, i32, i32
  }
}

module attributes {stable_mosaic.version = 14 : i64} {
  func.func @_onehot_body(%arg0: i32, %arg1: i32, %arg2: memref<1x1x128xi32, #tpu.memory_space<vmem>>, %arg3: memref<1x128x4096xf32, #tpu.memory_space<vmem>>, %arg4: memref<1x1x128xf32, #tpu.memory_space<vmem>>) attributes {dimension_semantics = [#tpu.dimension_semantics<arbitrary>, #tpu.dimension_semantics<arbitrary>], iteration_bounds = array<i64: 8, 5>, scalar_prefetch = 0 : i64, scratch_operands = 0 : i64, tpu.core_type = #tpu.core_type<tc>, window_params = [{transform_indices = @transform_0, window_bounds = array<i64: 1, 1, 128>}, {transform_indices = @transform_1, window_bounds = array<i64: 1, 128, 4096>}, {transform_indices = @transform_2, window_bounds = array<i64: 1, 1, 128>}]} {
    %get3A = arith.constant 0 : index
    %get3A_0 = arith.constant 0 : index
    %get3A_1 = arith.constant 0 : index
    %get3A_2 = vector.load %arg2[%get3A, %get3A_0, %get3A_1] : memref<1x1x128xi32, #tpu.memory_space<vmem>>, vector<1x1x128xi32>
    %get3A_3 = vector.shape_cast %get3A_2 : vector<1x1x128xi32> to vector<1x128xi32>
    %transpose3A = tpu.transpose %get3A_3, [1, 0] : vector<1x128xi32> -> vector<128x1xi32>
    %iota3A = tpu.iota {dimensions = array<i32: 1>} : vector<128x4096xi32>
    %eq3A = vector.broadcast %transpose3A : vector<128x1xi32> to vector<128x4096xi32>
    %eq3A_4 = arith.cmpi eq, %iota3A, %eq3A : vector<128x4096xi32>
    %jit3A = arith.constant 1.000000e+00 : f32
    %jit3A_5 = arith.constant 0.000000e+00 : f32
    %broadcast_in_dim3A = vector.broadcast %jit3A : f32 to vector<128x4096xf32>
    %broadcast_in_dim3A_6 = vector.broadcast %jit3A_5 : f32 to vector<128x4096xf32>
    %select_n3A = arith.select %eq3A_4, %broadcast_in_dim3A, %broadcast_in_dim3A_6 : vector<128x4096xi1>, vector<128x4096xf32>
    %swap3A = arith.constant 0 : index
    %swap3A_7 = arith.constant 0 : index
    %swap3A_8 = arith.constant 0 : index
    %swap3A_9 = vector.load %arg3[%swap3A, %swap3A_7, %swap3A_8] : memref<1x128x4096xf32, #tpu.memory_space<vmem>>, vector<1x128x4096xf32>
    %swap3A_10 = vector.shape_cast %swap3A_9 : vector<1x128x4096xf32> to vector<128x4096xf32>
    %swap3A_11 = vector.shape_cast %select_n3A : vector<128x4096xf32> to vector<1x128x4096xf32>
    tpu.vector_store %arg3[%swap3A, %swap3A_7, %swap3A_8], %swap3A_11 {strides = array<i32>} : memref<1x128x4096xf32, #tpu.memory_space<vmem>>, vector<1x128x4096xf32>,
    %eq3A_12 = arith.constant 0 : i32
    %eq3A_13 = arith.cmpi eq, %arg1, %eq3A_12 : i32
    %convert_element_type3A = arith.extui %eq3A_13 : i1 to i32
    %cond3A = arith.constant 0 : i32
    %cond3A_14 = arith.cmpi ne, %convert_element_type3A, %cond3A : i32
    scf.if %cond3A_14 {
      %broadcast_in_dim3A_34 = arith.constant 0.000000e+00 : f32
      %broadcast_in_dim3A_35 = vector.broadcast %broadcast_in_dim3A_34 : f32 to vector<128xf32>
      %swap3A_36 = arith.constant 0 : index
      %swap3A_37 = arith.constant 0 : index
      %swap3A_38 = arith.constant 0 : index
      %swap3A_39 = vector.load %arg4[%swap3A_36, %swap3A_37, %swap3A_38] : memref<1x1x128xf32, #tpu.memory_space<vmem>>, vector<1x1x128xf32>
      %swap3A_40 = vector.shape_cast %swap3A_39 : vector<1x1x128xf32> to vector<128xf32>
      %swap3A_41 = vector.shape_cast %broadcast_in_dim3A_35 : vector<128xf32> to vector<1x1x128xf32>
      tpu.vector_store %arg4[%swap3A_36, %swap3A_37, %swap3A_38], %swap3A_41 {strides = array<i32>} : memref<1x1x128xf32, #tpu.memory_space<vmem>>, vector<1x1x128xf32>,
    } else {
    }
    %get3A_15 = arith.constant 0 : index
    %get3A_16 = arith.constant 0 : index
    %get3A_17 = arith.constant 0 : index
    %get3A_18 = vector.load %arg4[%get3A_15, %get3A_16, %get3A_17] : memref<1x1x128xf32, #tpu.memory_space<vmem>>, vector<1x1x128xf32>
    %get3A_19 = vector.shape_cast %get3A_18 : vector<1x1x128xf32> to vector<128xf32>
    %broadcast_in_dim3A_20 = arith.constant 0.000000e+00 : f32
    %broadcast_in_dim3A_21 = vector.broadcast %broadcast_in_dim3A_20 : f32 to vector<128xf32>
    %reduce_sum3A = vector.shape_cast %select_n3A : vector<128x4096xf32> to vector<1x128x4096xf32>
    %reduce_sum3A_22 = arith.constant dense<0.000000e+00> : vector<1xf32>
    %reduce_sum3A_23 = vector.multi_reduction <add>, %reduce_sum3A, %reduce_sum3A_22 [1, 2] : vector<1x128x4096xf32> to vector<1xf32>
    %reduce_sum3A_24 = vector.shape_cast %reduce_sum3A_23 : vector<1xf32> to vector<1x1x1xf32>
    %reduce_sum3A_25 = vector.extract %reduce_sum3A_24[0, 0, 0] : f32 from vector<1x1x1xf32>
    %add3A = vector.broadcast %reduce_sum3A_25 : f32 to vector<128xf32>
    %add3A_26 = arith.addf %broadcast_in_dim3A_21, %add3A : vector<128xf32>
    %add3A_27 = arith.addf %get3A_19, %add3A_26 : vector<128xf32>
    %swap3A_28 = arith.constant 0 : index
    %swap3A_29 = arith.constant 0 : index
    %swap3A_30 = arith.constant 0 : index
    %swap3A_31 = vector.load %arg4[%swap3A_28, %swap3A_29, %swap3A_30] : memref<1x1x128xf32, #tpu.memory_space<vmem>>, vector<1x1x128xf32>
    %swap3A_32 = vector.shape_cast %swap3A_31 : vector<1x1x128xf32> to vector<128xf32>
    %swap3A_33 = vector.shape_cast %add3A_27 : vector<128xf32> to vector<1x1x128xf32>
    tpu.vector_store %arg4[%swap3A_28, %swap3A_29, %swap3A_30], %swap3A_33 {strides = array<i32>} : memref<1x1x128xf32, #tpu.memory_space<vmem>>, vector<1x1x128xf32>,
    return
  }
  func.func @transform_0(%arg0: i32, %arg1: i32) -> (i32, i32, i32) {
    %mul3A = arith.constant 5 : i32
    %mul3A_0 = arith.muli %arg0, %mul3A : i32
    %add3A = arith.addi %mul3A_0, %arg1 : i32
    %c0_i32 = arith.constant 0 : i32
    %c0_i32_1 = arith.constant 0 : i32
    %c0_i32_2 = arith.constant 0 : i32
    return %add3A, %c0_i32, %c0_i32_1 : i32, i32, i32
  }
  func.func @transform_1(%arg0: i32, %arg1: i32) -> (i32, i32, i32) {
    %mul3A = arith.constant 5 : i32
    %mul3A_0 = arith.muli %arg0, %mul3A : i32
    %add3A = arith.addi %mul3A_0, %arg1 : i32
    %c0_i32 = arith.constant 0 : i32
    %c0_i32_1 = arith.constant 0 : i32
    %c0_i32_2 = arith.constant 0 : i32
    return %add3A, %c0_i32, %c0_i32_1 : i32, i32, i32
  }
  func.func @transform_2(%arg0: i32, %arg1: i32) -> (i32, i32, i32) {
    %c0_i32 = arith.constant 0 : i32
    %c0_i32_0 = arith.constant 0 : i32
    %c0_i32_1 = arith.constant 0 : i32
    return %arg0, %c0_i32, %c0_i32_0 : i32, i32, i32
  }
}

</mosaic_0001>

<sc_bundles>
// kernel: kernel.6.cloned.1.call-start
scs
__scs_entry_jumppad:
0x0: {  	(pc) =	sbr.rel $0x88, $3  }
0x1: {  	(tag) =	ssettag $0x0;
	lr =	simm.s32 $0x1  }
0x2: {  	[smem:$0x3F9E] =	sst lr;
	_ =	strace $0xD0000000  }
0x3: {  	_ = 	snop  }
0x4: {  	_ = 	snop  }
0x5: {  	_ = 	snop  }
0x6: {  	_ = 	snop  }
0x7: {  	_ = 	snop  }
__scs_overlays_trampoline_lowered:
0x8: {  	[smem:$0x3FAD] =	sst s0  }
0x9: {  	[smem:$0x3FAE] =	sst s1  }
0xa: {  	[smem:$0x3FAF] =	sst s2  }
0xb: {  	[smem:$0x3FB0] =	sst s3  }
0xc: {  	[smem:$0x3FB1] =	sst s4  }
0xd: {  	[smem:$0x3FB2] =	sst s5  }
0xe: {  	[smem:$0x3FB3] =	sst s6  }
0xf: {  	[smem:$0x3FB4] =	sst s7  }
0x10: {  	[smem:$0x3FB5] =	sst s8  }
0x11: {  	[smem:$0x3FB6] =	sst s9;
	s0 =	simm.s32 @!p0 $0x0  }
0x12: {  	s1 =	sld [smem:$0x3F9C];
	s0 =	simm.s32 @p0 $0x1  }
0x13: {  	[smem:$0x3FB7] =	sst s0;
	s0 =	simm.s32 @!p1 $0x0  }
0x14: {  	s2 =	sld [smem:$0x3F9B];
	s0 =	simm.s32 @p1 $0x1  }
0x15: {  	[smem:$0x3FB8] =	sst s0;
	s0 =	simm.s32 @!p2 $0x0  }
0x16: {  	s3 =	sld [smem:$0x3FDB];
	s0 =	simm.s32 @p2 $0x1  }
0x17: {  	s4 =	simm.s32 $0x1BF5;
	[smem:$0x3FBA] =	sst s0  }
0x18: {  	s0 =	sld [smem:$0x3F9D];
	_ =	swait.ge [sflag:s4], $0x0  }
0x19: {  	s7 =	sld [smem:$0x3F9E]  }
0x1a: {  	s8 =	sadd.s32 $0xFFFFE003, lr  }
0x1b: {  	s9 =	sadd.s32 $0xFFFFFEF7, lr;
	s5 =	simm.s32 $0xFFFFFFFF;
	p2 =	slt.u32 s8, $0xFFFFF086  }
0x1c: {  	p1 =	slt.u32 s9, $0xF7A;
	s5 =	simm.s32 @!p2 $0x0  }
0x1d: {  	s5 =	simm.s32 @p1 $0x1;
	p0 =	seq.s32 s7, s2  }
0x1e: {  	s7 =	smul.u32 @!p0 $0xF7A, s2;
	p2 =	seq.s32 @!p0 s5, $0x0  }
0x1f: {  	s9 =	smul.u32 $0xF7A, s1;
	s8 =	simm.s32 @!p0 $0x1BF5;
	p2 =	por !p2, p0  }
0x20: {  	[sflag:s8] =	ssyncset.s32 @!p0 $0xFFFFF086;
	s6 =	sadd.s32 @!p0 s3, s7;
	s7 =	simm.s32 @!p0 $0x108  }
0x21: {  	s3 =	sadd.s32 s3, s9;
	s6 =	sadd.s32 @!p0 $0x88, s6;
	s7 =	simm.s32 @p2 $0x1082  }
0x22: {  	[simem:s7], [sflag:s8] =	dma.local @!p0 [hbm:s6], $0xF7A  }
0x23: {  	s9 =	sor.u32 $0xD0000000, s2;
	s6 =	simm.s32 $0x108;
	_ =	swait.ge @!p0 [sflag:s8], $0x0  }
0x24: {  	s3 =	sadd.s32 $0x88, s3;
	s6 =	simm.s32 @!p1 $0x1082;
	[sflag:s4] =	ssyncset.s32 $0xFFFFF086  }
0x25: {  	[simem:s6], [sflag:s4] =	dma.local [hbm:s3], $0xF7A  }
0x26: {  	[smem:$0x3F9E] =	sst s1;
	(tag) =	ssettag s2;
	_ =	strace s9  }
0x27: {  	s1 =	sld [smem:$0x3FAE]  }
0x28: {  	s2 =	sld [smem:$0x3FAF]  }
0x29: {  	s4 =	sld [smem:$0x3FB1]  }
0x2a: {  	p0 =	seq.s32 s5, $0x0;
	s5 =	sld [smem:$0x3FB2]  }
0x2b: {  	s6 =	sld [smem:$0x3FB3]  }
0x2c: {  	s7 =	sld [smem:$0x3FB4]  }
0x2d: {  	s3 =	simm.s32 $0x108;
	s8 =	sld [smem:$0x3FB5]  }
0x2e: {  	s3 =	simm.s32 @!p0 $0x1082;
	s9 =	sld [smem:$0x3FB6]  }
0x2f: {  	lr =	sadd.s32 s0, s3;
	s0 =	sld [smem:$0x3FAD]  }
0x30: {  	s3 =	sld [smem:$0x3FB0]  }
0x31: {  	[smem:$0x3FB9] =	sst s10  }
0x32: {  	s10 =	sld [smem:$0x3FB7];
	_ =	sdelay $0x3  }
0x33: {  	p0 =	seq.s32 s10, $0x1;
	s10 =	sld [smem:$0x3FB9];
	_ =	sdelay $0x3  }
0x34: {  	[smem:$0x3FB9] =	sst s10  }
0x35: {  	s10 =	sld [smem:$0x3FB8];
	_ =	sdelay $0x3  }
0x36: {  	p1 =	seq.s32 s10, $0x1;
	s10 =	sld [smem:$0x3FB9];
	_ =	sdelay $0x3  }
0x37: {  	[smem:$0x3FB9] =	sst s10  }
0x38: {  	s10 =	sld [smem:$0x3FBA]  }
0x39: {  	_ = 	snop;
	(pc) =	sbr.ind lr, $3  }
0x3a: {  	_ = 	snop  }
0x3b: {  	_ = 	snop  }
0x3c: {  	p2 =	seq.s32 s10, $0x1;
	s10 =	sld [smem:$0x3FB9]  }
0x3d: {  	_ =	shalt  }
0x3e: {  	_ =	shalt  }
0x3f: {  	_ =	shalt  }
0x40: {  	_ =	shalt  }
0x41: {  	_ =	shalt  }
0x42: {  	_ =	shalt  }
0x43: {  	_ =	shalt  }
0x44: {  	_ =	shalt  }
0x45: {  	_ =	shalt  }
0x46: {  	_ =	shalt  }
0x47: {  	_ =	shalt  }
0x48: {  	_ =	shalt  }
0x49: {  	_ =	shalt  }
0x4a: {  	_ =	shalt  }
0x4b: {  	_ =	shalt  }
0x4c: {  	_ =	shalt  }
0x4d: {  	_ =	shalt  }
0x4e: {  	_ =	shalt  }
0x4f: {  	_ =	shalt  }
0x50: {  	_ =	shalt  }
0x51: {  	_ =	shalt  }
0x52: {  	_ =	shalt  }
0x53: {  	_ =	shalt  }
0x54: {  	_ =	shalt  }
0x55: {  	_ =	shalt  }
0x56: {  	_ =	shalt  }
0x57: {  	_ =	shalt  }
0x58: {  	_ =	shalt  }
0x59: {  	_ =	shalt  }
0x5a: {  	_ =	shalt  }
0x5b: {  	_ =	shalt  }
0x5c: {  	_ =	shalt  }
0x5d: {  	_ =	shalt  }
0x5e: {  	_ =	shalt  }
0x5f: {  	_ =	shalt  }
0x60: {  	_ =	shalt  }
0x61: {  	_ =	shalt  }
0x62: {  	_ =	shalt  }
0x63: {  	_ =	shalt  }
0x64: {  	_ =	shalt  }
0x65: {  	_ =	shalt  }
0x66: {  	_ =	shalt  }
0x67: {  	_ =	shalt  }
0x68: {  	_ =	shalt  }
0x69: {  	_ =	shalt  }
0x6a: {  	_ =	shalt  }
0x6b: {  	_ =	shalt  }
0x6c: {  	_ =	shalt  }
0x6d: {  	_ =	shalt  }
0x6e: {  	_ =	shalt  }
0x6f: {  	_ =	shalt  }
0x70: {  	_ =	shalt  }
0x71: {  	_ =	shalt  }
0x72: {  	_ =	shalt  }
0x73: {  	_ =	shalt  }
0x74: {  	_ =	shalt  }
0x75: {  	_ =	shalt  }
0x76: {  	_ =	shalt  }
0x77: {  	_ =	shalt  }
0x78: {  	_ =	shalt  }
0x79: {  	_ =	shalt  }
0x7a: {  	_ =	shalt  }
0x7b: {  	_ =	shalt  }
0x7c: {  	_ =	shalt  }
0x7d: {  	_ =	shalt  }
0x7e: {  	_ =	shalt  }
0x7f: {  	_ =	shalt  }
0x80: {  	_ =	shalt  }
0x81: {  	_ =	shalt  }
0x82: {  	_ =	shalt  }
0x83: {  	_ =	shalt  }
0x84: {  	_ =	shalt  }
0x85: {  	_ =	shalt  }
0x86: {  	_ =	shalt  }
0x87: {  	_ =	shalt  }
.Lfunc_end0:
.L_simem_size_0:
called_computation_lowered:
.L_overlay_start_0:
0x88: {  	s2 =	sld [smem:$0x3FD9]  }
0x89: {  	s3 =	sld [smem:$0x3FFE];
	_ =	sdelay $0x1  }
0x8a: {  	s1 =	srdreg.scid  }
0x8b: {  	s0 =	sand.u32 $0x1, s1  }
0x8c: {  	s14 =	sshll.u32 s0, $0xA;
	s2 =	sadd.s32 s3, s2  }
0x8d: {  	s2 =	sadd.s32 s2, s14  }
0x8e: {  	[smem:$0x3FC5] =	sst s2  }
0x8f: {  	_ = 	snop  }
0x90: {  	s2 =	sld [smem:$0x3FD0];
	_ =	sdelay $0x2  }
0x91: {  	s4 =	simm.s32 $0xA;
	s5 =	simm.s32 $0x10;
	s15 =	sld [smem:$0x3FC9]  }
0x92: {  	[smem:s5], [sflag:s4] =	dma.local [hbm:s2], $0x1  }
0x93: {  	_ =	swait.eq [sflag:s4], $0x1  }
0x94: {  	[sflag:s4] =	ssyncset.done $0x0  }
0x95: {  	[sflag:s4] =	ssyncadd.s32 $0xFFFFFFFF  }
0x96: {  	s16 =	sld [smem:$0x10];
	(tm) =	ssettm $0x1  }
0x97: {  	s17 =	sld [smem:$0x3FFB];
	_ =	sdelay $0x3  }
0x98: {  	_ =	strace s17  }
0x99: {  	s4 =	sld [smem:$0x3FFC];
	_ =	sdelay $0x3  }
0x9a: {  	_ =	strace s4  }
0x9b: {  	s4 =	sld [smem:$0x3FFD];
	_ =	sdelay $0x3  }
0x9c: {  	_ =	strace s4  }
0x9d: {  	_ =	strace $0x8FFFFFFF  }
0x9e: {  	s18 =	sld [smem:$0x3FDB];
	_ =	sdelay $0x1  }
0x9f: {  	s19 =	simm.s32 $_scs_section_size  }
0xa0: {  	s6 =	simm.s32 $_size__tile_overlayer_lowered;
	s7 =	simm.s32 $_tile_overlayer_lowered  }
0xa1: {  	s22 =	simm.s32 $0x1BFF;
	s21 =	sshll.u32 s7, $0x1;
	s4 =	sadd.s32 s19, s18  }
0xa2: {  	s8 =	simm.s32 $0x0;
	s20 =	sshll.u32 s6, $0x1;
	s6 =	sadd.s32 s21, s4  }
0xa3: {  	[timem:s8], [sflag:s22] =	dma.local [hbm:s6], s20  }
0xa4: {  	_ =	swait.ge [sflag:s22], s20  }
0xa5: {  	s5 =	ssub.s32 $0x0, s20;
	[sflag:s22] =	ssyncset.done $0x0  }
0xa6: {  	[sflag:s22] =	ssyncadd.s32 s5;
	_ =	sdelay $0x1  }
0xa7: {  	s23 =	simm.s32 $0x1B8B  }
0xa8: {  	_ =	swait.ge [sflag:s23], $0x1  }
0xa9: {  	[sflag:s23] =	ssyncset.done $0x0  }
0xaa: {  	s25 =	simm.s32 $0x1B8E;
	s24 =	sld [smem:$0x3FFE];
	[sflag:s23] =	ssyncadd.s32 $0xFFFFFFFF  }
0xab: {  	s26 =	simm.s32 $execute0_lowered;
	[smem:$0x3FD2] =	sst s25  }
0xac: {  	s6 =	sshll.u32 s26, $0x1;
	_ =	strace $0x80000046;
	[dreg:$0x1] =	wrdreg $0xFFFFFFFF  }
0xad: {  	s28 =	simm.s32 $_size_execute0_lowered;
	s4 =	sadd.s32 s4, s6;
	[dreg:$0x0] =	wrdreg $0x0  }
0xae: {  	s6 =	sshll.u32 s28, $0x1;
	[dreg:$0x2] =	wrdreg s4  }
0xaf: {  	[dreg:$0x3] =	wrdreg s6  }
0xb0: {  	[dreg:$0x4] =	wrdreg $0xC0  }
0xb1: {  	_ =	task [dreg:s8], $0x5FFFF  }
0xb2: {  	[dreg:$0x1] =	wrdreg $0xFFFFFFFF  }
0xb3: {  	[dreg:$0x0] =	wrdreg $0x60  }
0xb4: {  	[dreg:$0x2] =	wrdreg s15  }
0xb5: {  	[dreg:$0x3] =	wrdreg s24  }
0xb6: {  	[dreg:$0x4] =	wrdreg s16  }
0xb7: {  	[dreg:$0x5] =	wrdreg $0x9  }
0xb8: {  	_ =	task.clear_ibuf [dreg:s8], $0x6FFFF;
	_ =	strace $0x90000046  }
0xb9: {  	s29 =	simm.s32 $0x9;
	_ =	strace $0x80000048  }
0xba: {  	_ =	swait.ge [sflag:s29], $0x1  }
0xbb: {  	[sflag:s29] =	ssyncadd.s32 $0xFFFFFFFF  }
0xbc: {  	_ =	strace $0x90000048  }
0xbd: {  	_ =	sfence  }
0xbe: {  	s30 =	sld [smem:$0x0];
	_ =	sdelay $0x2  }
0xbf: {  	s31 =	sshll.u32 s1, $0xD;
	s1 =	sshrl.u32 s1, $0x2  }
0xc0: {  	s3 =	sand.u32 $0x4000, s31;
	s1 =	sadd.s32 s1, s30  }
0xc1: {  	s0 =	sor.u32 s3, s0;
	s1 =	sshll.u32 s1, $0x11  }
0xc2: {  	s0 =	sor.u32 s1, s0  }
0xc3: {  	s0 =	sadd.s32 $0x8F2B, s0  }
0xc4: {  	[sflag:s0] =	ssyncadd.remote.s32 $0x1  }
0xc5: {  	_ =	sfence.sel $0xFFFF  }
0xc6: {  	[dreg:$0x0] =	wrdreg $0xFFFFFFFF;
	(pc) =	sbr.abs _section_cstart, $3  }
0xc7: {  	[dreg:$0x1] =	wrdreg $0xFFFFFFFF  }
0xc8: {  	_ =	task.clear_ibuf [dreg:s8], $0x2FFFF;
	_ =	strace $0x9FFFFFFF  }
0xc9: {  	(tm) =	ssettm $0x7FFFFFFF  }
tec
execute0_lowered:
.L_overlay_start_1:
0x0: {  	(tag) =	ssettag $0x1  }
0x1: {  	s1 =	rddreg [dreg:$0x0]  }
0x2: {  	s0 =	rddreg [dreg:$0x1];
	s2 =	srdreg.scid  }
0x3: {  	s3 =	stileid.u32;
	s4 =	rddreg [dreg:$0x2];
	s9 =	simm.s32 $0x3  }
0x4: {  	s10 =	simm.s32 $0x1;
	s29 =	simm.s32 $0x2;
	s31 =	simm.s32 $0x200  }
0x5: {  	s11 =	simm.s32 $0x1A00;
	s12 =	simm.s32 $0x2200;
	s13 =	simm.s32 $0x2A00  }
0x6: {  	s14 =	simm.s32 $0x3200;
	s15 =	simm.s32 $0x3A00;
	s16 =	simm.s32 $0x4200  }
0x7: {  	s17 =	simm.s32 $0x4A00;
	s18 =	simm.s32 $0x5200;
	s19 =	simm.s32 $0x5A00  }
0x8: {  	s20 =	simm.s32 $0x6200;
	s21 =	simm.s32 $0x6A00;
	s22 =	simm.s32 $0x7200  }
0x9: {  	s23 =	simm.s32 $0x7A00;
	s24 =	simm.s32 $0x8200;
	s28 =	simm.s32 $0xA200  }
0xa: {  	s2 =	sand.u32 $0x1, s2;
	s5 =	sshll.u32 s3, $0x1;
	s3 =	simm.s32 $0x0  }
0xb: {  	s5 =	sor.u32 s2, s5;
	[smem:$0x7FF] =	sst s3;
	s2 =	ssub.s32 $0x2, s2  }
0xc: {  	s6 =	smul.u32 $0x28000, s5;
	s7 =	sshrl.u32 s2, $0x1;
	s5 =	sshll.u32 s5, $0x6  }
0xd: {  	_ =	strace $0x80000047;
	s2 =	ssub.s32 s2, s7;
	s0 =	sadd.s32 s0, s5  }
0xe: {  	s5 =	sadd.s32 $0x100, s1;
	s7 =	sadd.s32 $0x300, s1;
	s6 =	sshrl.u32 s6, $0x3  }
0xf: {  	[dreg:$0x4] =	wrdreg s0;
	s8 =	smax.u32 s2, $0x1;
	s4 =	sadd.s32 s4, s6  }
0x10: {  	s2 =	simm.s32 $0xA00;
	s25 =	sadd.s32 $0x1400, s4;
	[dreg:$0x8] =	wrdreg s4  }
0x11: {  	v2 =	vlaneseq.u32;
	s6 =	sadd.s32 $0x200, s1;
	s26 =	sadd.s32 $0x2800, s4;
	[dreg:$0x5] =	wrdreg s25  }
0x12: {  	vm0 =	vmmov $0xffff;
	v1 =	vshrl.u32 v2, $0x3;
	s30 =	sadd.s32 $0x3C00, s4;
	s4 =	simm.s32 $0x9A00;
	[dreg:$0x6] =	wrdreg s26  }
0x13: {  	v0 =	vand.u32 $0x7, v2;
	v2 =	vor.u32 $0x8, v2;
	v1 =	vmul.u32 $0x8, v1;
	[dreg:$0x7] =	wrdreg s30;
	s25 =	simm.s32 $0x8A00;
	s26 =	simm.s32 $0x9200  }
.LBB2_1:
0x14: {  	s30 =	rddreg [dreg:$0x4]  }
0x15: {  	[tilespmem:s3], [sflag:$0x3] =	stream.linear.gather [hbm4b:s30+s3], $0x200, $0x38;
	[tilespmem:$0x14200] =	vst v63  }
0x16: {  	_ =	swait.ge [sflag:s9], $0x200  }
0x17: {  	[sflag:s9] =	ssyncset.done $0x0  }
0x18: {  	[sflag:s9] =	ssyncadd.s32 $0xFFFFFE00  }
0x19: {  	v3 =	vld [tilespmem:$0x0];
	_ =	sdelay $0x4  }
0x1a: {  	v4 =	vshll.u32 v3, $0x3  }
0x1b: {  	v3 =	vand.u32 $0x7, v3;
	v4 =	vand.u32 $0xFFFFFFC0, v4  }
0x1c: {  	v3 =	vor.u32 v3, v4  }
0x1d: {  	v4 =	vperm.xlane v3, v0;
	_ =	sdelay $0x1  }
0x1e: {  	v4 =	vadd.s32 v1, v4;
	_ =	sdelay $0x4  }
0x1f: {  	[tilespmem:s31], [sflag:$0x1] =	stream.indirect_vreg.gather [hbm4b:s1+s3], $0x80, v4, vm0, $0xb8;
	[tilespmem:$0x14200] =	vst v63  }
0x20: {  	v3 =	vperm.xlane v3, v2  }
0x21: {  	[tilespmem:s2], [sflag:$0x1] =	stream.indirect_vreg.gather [hbm4b:s5+s3], $0x80, v4, vm0, $0xb8;
	[tilespmem:$0x14200] =	vst v63  }
0x22: {  	s0 =	simm.s32 $0x1200;
	v3 =	vadd.s32 v1, v3  }
0x23: {  	[tilespmem:s0], [sflag:$0x1] =	stream.indirect_vreg.gather [hbm4b:s6+s3], $0x80, v4, vm0, $0xb8;
	[tilespmem:$0x14200] =	vst v63  }
0x24: {  	_ = 	snop  }
0x25: {  	[tilespmem:s11], [sflag:$0x1] =	stream.indirect_vreg.gather [hbm4b:s7+s3], $0x80, v4, vm0, $0xb8;
	[tilespmem:$0x14200] =	vst v63  }
0x26: {  	_ = 	snop  }
0x27: {  	[tilespmem:s12], [sflag:$0x1] =	stream.indirect_vreg.gather [hbm4b:s1+s3], $0x80, v3, vm0, $0xb8;
	[tilespmem:$0x14200] =	vst v63  }
0x28: {  	_ = 	snop  }
0x29: {  	[tilespmem:s13], [sflag:$0x1] =	stream.indirect_vreg.gather [hbm4b:s5+s3], $0x80, v3, vm0, $0xb8;
	[tilespmem:$0x14200] =	vst v63  }
0x2a: {  	_ = 	snop  }
0x2b: {  	[tilespmem:s14], [sflag:$0x1] =	stream.indirect_vreg.gather [hbm4b:s6+s3], $0x80, v3, vm0, $0xb8;
	[tilespmem:$0x14200] =	vst v63  }
0x2c: {  	_ = 	snop  }
0x2d: {  	[tilespmem:s15], [sflag:$0x1] =	stream.indirect_vreg.gather [hbm4b:s7+s3], $0x80, v3, vm0, $0xb8;
	[tilespmem:$0x14200] =	vst v63  }
0x2e: {  	v3 =	vld [tilespmem:$0x10];
	_ =	sdelay $0x4  }
0x2f: {  	v53 =	vshll.u32 v3, $0x3  }
0x30: {  	v3 =	vand.u32 $0x7, v3;
	v4 =	vand.u32 $0xFFFFFFC0, v53  }
0x31: {  	v3 =	vor.u32 v3, v4  }
0x32: {  	v4 =	vperm.xlane v3, v0;
	_ =	sdelay $0x1  }
0x33: {  	v4 =	vadd.s32 v1, v4;
	_ =	sdelay $0x4  }
0x34: {  	[tilespmem:s16], [sflag:$0x1] =	stream.indirect_vreg.gather [hbm4b:s1+s3], $0x80, v4, vm0, $0xb8;
	[tilespmem:$0x14200] =	vst v63  }
0x35: {  	v3 =	vperm.xlane v3, v2  }
0x36: {  	[tilespmem:s17], [sflag:$0x1] =	stream.indirect_vreg.gather [hbm4b:s5+s3], $0x80, v4, vm0, $0xb8;
	[tilespmem:$0x14200] =	vst v63  }
0x37: {  	v3 =	vadd.s32 v1, v3  }
0x38: {  	[tilespmem:s18], [sflag:$0x1] =	stream.indirect_vreg.gather [hbm4b:s6+s3], $0x80, v4, vm0, $0xb8;
	[tilespmem:$0x14200] =	vst v63  }
0x39: {  	_ = 	snop  }
0x3a: {  	[tilespmem:s19], [sflag:$0x1] =	stream.indirect_vreg.gather [hbm4b:s7+s3], $0x80, v4, vm0, $0xb8;
	[tilespmem:$0x14200] =	vst v63  }
0x3b: {  	_ = 	snop  }
0x3c: {  	[tilespmem:s20], [sflag:$0x1] =	stream.indirect_vreg.gather [hbm4b:s1+s3], $0x80, v3, vm0, $0xb8;
	[tilespmem:$0x14200] =	vst v63  }
0x3d: {  	_ = 	snop  }
0x3e: {  	[tilespmem:s21], [sflag:$0x1] =	stream.indirect_vreg.gather [hbm4b:s5+s3], $0x80, v3, vm0, $0xb8;
	[tilespmem:$0x14200] =	vst v63  }
0x3f: {  	_ = 	snop  }
0x40: {  	[tilespmem:s22], [sflag:$0x1] =	stream.indirect_vreg.gather [hbm4b:s6+s3], $0x80, v3, vm0, $0xb8;
	[tilespmem:$0x14200] =	vst v63  }
0x41: {  	_ = 	snop  }
0x42: {  	[tilespmem:s23], [sflag:$0x1] =	stream.indirect_vreg.gather [hbm4b:s7+s3], $0x80, v3, vm0, $0xb8;
	[tilespmem:$0x14200] =	vst v63  }
0x43: {  	v3 =	vld.msk [tilespmem:$0x20], $0xff;
	_ =	sdelay $0x4  }
0x44: {  	v54 =	vshll.u32 v3, $0x3  }
0x45: {  	v3 =	vand.u32 $0x7, v3;
	v4 =	vand.u32 $0xFFFFFFC0, v54  }
0x46: {  	v3 =	vor.u32 v3, v4  }
0x47: {  	v3 =	vperm.xlane v3, v0;
	_ =	sdelay $0x1  }
0x48: {  	v3 =	vadd.s32 v1, v3;
	_ =	sdelay $0x4  }
0x49: {  	[tilespmem:s24], [sflag:$0x1] =	stream.indirect_vreg.gather [hbm4b:s1+s3], $0x80, v3, vm0, $0xb8;
	[tilespmem:$0x14200] =	vst v63  }
0x4a: {  	_ = 	snop  }
0x4b: {  	[tilespmem:s25], [sflag:$0x1] =	stream.indirect_vreg.gather [hbm4b:s5+s3], $0x80, v3, vm0, $0xb8;
	[tilespmem:$0x14200] =	vst v63  }
0x4c: {  	_ = 	snop  }
0x4d: {  	[tilespmem:s26], [sflag:$0x1] =	stream.indirect_vreg.gather [hbm4b:s6+s3], $0x80, v3, vm0, $0xb8;
	[tilespmem:$0x14200] =	vst v63  }
0x4e: {  	_ = 	snop  }
0x4f: {  	[tilespmem:s4], [sflag:$0x1] =	stream.indirect_vreg.gather [hbm4b:s7+s3], $0x80, v3, vm0, $0xb8;
	[tilespmem:$0x14200] =	vst v63  }
0x50: {  	v3 =	vld [tilespmem:$0x80];
	_ =	sdelay $0x4  }
0x51: {  	v55 =	vshll.u32 v3, $0x3  }
0x52: {  	v3 =	vand.u32 $0x7, v3;
	v4 =	vand.u32 $0xFFFFFFC0, v55  }
0x53: {  	v3 =	vor.u32 v3, v4  }
0x54: {  	v4 =	vperm.xlane v3, v0;
	_ =	sdelay $0x1  }
0x55: {  	v4 =	vadd.s32 v1, v4;
	_ =	sdelay $0x4  }
0x56: {  	[tilespmem:s28], [sflag:$0x2] =	stream.indirect_vreg.gather [hbm4b:s1+s3], $0x80, v4, vm0, $0xb8;
	[tilespmem:$0x14200] =	vst v63  }
0x57: {  	s30 =	simm.s32 $0xAA00;
	v3 =	vperm.xlane v3, v2  }
0x58: {  	[tilespmem:s30], [sflag:$0x2] =	stream.indirect_vreg.gather [hbm4b:s5+s3], $0x80, v4, vm0, $0xb8;
	[tilespmem:$0x14200] =	vst v63  }
0x59: {  	v3 =	vadd.s32 v1, v3;
	s30 =	simm.s32 $0xB200  }
0x5a: {  	[tilespmem:s30], [sflag:$0x2] =	stream.indirect_vreg.gather [hbm4b:s6+s3], $0x80, v4, vm0, $0xb8;
	[tilespmem:$0x14200] =	vst v63  }
0x5b: {  	s30 =	simm.s32 $0xBA00  }
0x5c: {  	[tilespmem:s30], [sflag:$0x2] =	stream.indirect_vreg.gather [hbm4b:s7+s3], $0x80, v4, vm0, $0xb8;
	[tilespmem:$0x14200] =	vst v63  }
0x5d: {  	s30 =	simm.s32 $0xC200  }
0x5e: {  	[tilespmem:s30], [sflag:$0x2] =	stream.indirect_vreg.gather [hbm4b:s1+s3], $0x80, v3, vm0, $0xb8;
	[tilespmem:$0x14200] =	vst v63  }
0x5f: {  	s30 =	simm.s32 $0xCA00  }
0x60: {  	[tilespmem:s30], [sflag:$0x2] =	stream.indirect_vreg.gather [hbm4b:s5+s3], $0x80, v3, vm0, $0xb8;
	[tilespmem:$0x14200] =	vst v63  }
0x61: {  	s30 =	simm.s32 $0xD200  }
0x62: {  	[tilespmem:s30], [sflag:$0x2] =	stream.indirect_vreg.gather [hbm4b:s6+s3], $0x80, v3, vm0, $0xb8;
	[tilespmem:$0x14200] =	vst v63  }
0x63: {  	s30 =	simm.s32 $0xDA00  }
0x64: {  	[tilespmem:s30], [sflag:$0x2] =	stream.indirect_vreg.gather [hbm4b:s7+s3], $0x80, v3, vm0, $0xb8;
	[tilespmem:$0x14200] =	vst v63  }
0x65: {  	v3 =	vld [tilespmem:$0x90];
	_ =	sdelay $0x4  }
0x66: {  	v56 =	vshll.u32 v3, $0x3  }
0x67: {  	v3 =	vand.u32 $0x7, v3;
	v4 =	vand.u32 $0xFFFFFFC0, v56  }
0x68: {  	v3 =	vor.u32 v3, v4  }
0x69: {  	v4 =	vperm.xlane v3, v0;
	_ =	sdelay $0x1  }
0x6a: {  	v4 =	vadd.s32 v1, v4;
	_ =	sdelay $0x3  }
0x6b: {  	s30 =	simm.s32 $0xE200  }
0x6c: {  	[tilespmem:s30], [sflag:$0x2] =	stream.indirect_vreg.gather [hbm4b:s1+s3], $0x80, v4, vm0, $0xb8;
	[tilespmem:$0x14200] =	vst v63  }
0x6d: {  	v3 =	vperm.xlane v3, v2;
	s30 =	simm.s32 $0xEA00  }
0x6e: {  	[tilespmem:s30], [sflag:$0x2] =	stream.indirect_vreg.gather [hbm4b:s5+s3], $0x80, v4, vm0, $0xb8;
	[tilespmem:$0x14200] =	vst v63  }
0x6f: {  	v3 =	vadd.s32 v1, v3;
	s30 =	simm.s32 $0xF200  }
0x70: {  	[tilespmem:s30], [sflag:$0x2] =	stream.indirect_vreg.gather [hbm4b:s6+s3], $0x80, v4, vm0, $0xb8;
	[tilespmem:$0x14200] =	vst v63  }
0x71: {  	s30 =	simm.s32 $0xFA00  }
0x72: {  	[tilespmem:s30], [sflag:$0x2] =	stream.indirect_vreg.gather [hbm4b:s7+s3], $0x80, v4, vm0, $0xb8;
	[tilespmem:$0x14200] =	vst v63  }
0x73: {  	s30 =	simm.s32 $0x10200  }
0x74: {  	[tilespmem:s30], [sflag:$0x2] =	stream.indirect_vreg.gather [hbm4b:s1+s3], $0x80, v3, vm0, $0xb8;
	[tilespmem:$0x14200] =	vst v63  }
0x75: {  	s30 =	simm.s32 $0x10A00  }
0x76: {  	[tilespmem:s30], [sflag:$0x2] =	stream.indirect_vreg.gather [hbm4b:s5+s3], $0x80, v3, vm0, $0xb8;
	[tilespmem:$0x14200] =	vst v63  }
0x77: {  	s30 =	simm.s32 $0x11200  }
0x78: {  	[tilespmem:s30], [sflag:$0x2] =	stream.indirect_vreg.gather [hbm4b:s6+s3], $0x80, v3, vm0, $0xb8;
	[tilespmem:$0x14200] =	vst v63  }
0x79: {  	s30 =	simm.s32 $0x11A00  }
0x7a: {  	[tilespmem:s30], [sflag:$0x2] =	stream.indirect_vreg.gather [hbm4b:s7+s3], $0x80, v3, vm0, $0xb8;
	[tilespmem:$0x14200] =	vst v63  }
0x7b: {  	v3 =	vld.msk [tilespmem:$0xA0], $0xff;
	_ =	sdelay $0x4  }
0x7c: {  	v57 =	vshll.u32 v3, $0x3  }
0x7d: {  	v3 =	vand.u32 $0x7, v3;
	v4 =	vand.u32 $0xFFFFFFC0, v57  }
0x7e: {  	v3 =	vor.u32 v3, v4  }
0x7f: {  	v3 =	vperm.xlane v3, v0;
	_ =	sdelay $0x1  }
0x80: {  	v3 =	vadd.s32 v1, v3;
	_ =	sdelay $0x3  }
0x81: {  	s30 =	simm.s32 $0x12200  }
0x82: {  	[tilespmem:s30], [sflag:$0x2] =	stream.indirect_vreg.gather [hbm4b:s1+s3], $0x80, v3, vm0, $0xb8;
	[tilespmem:$0x14200] =	vst v63  }
0x83: {  	s30 =	simm.s32 $0x12A00  }
0x84: {  	[tilespmem:s30], [sflag:$0x2] =	stream.indirect_vreg.gather [hbm4b:s5+s3], $0x80, v3, vm0, $0xb8;
	[tilespmem:$0x14200] =	vst v63  }
0x85: {  	s30 =	simm.s32 $0x13200  }
0x86: {  	[tilespmem:s30], [sflag:$0x2] =	stream.indirect_vreg.gather [hbm4b:s6+s3], $0x80, v3, vm0, $0xb8;
	[tilespmem:$0x14200] =	vst v63  }
0x87: {  	s30 =	simm.s32 $0x13A00  }
0x88: {  	[tilespmem:s30], [sflag:$0x2] =	stream.indirect_vreg.gather [hbm4b:s7+s3], $0x80, v3, vm0, $0xb8;
	[tilespmem:$0x14200] =	vst v63  }
0x89: {  	_ =	swait.ge [sflag:s10], $0xA000  }
0x8a: {  	[sflag:s10] =	ssyncset.done $0x0  }
0x8b: {  	s30 =	rddreg [dreg:$0x8];
	[sflag:s10] =	ssyncadd.s32 $0xFFFF6000  }
0x8c: {  	[hbm4b:s30+s3] =	stream.linear.scatter [tilespmem:s31], [sflag:$0x3], $0xA000, $0x38;
	[tilespmem:$0x14200] =	vst v63  }
0x8d: {  	_ =	swait.ge [sflag:s9], $0xA000  }
0x8e: {  	[sflag:s9] =	ssyncset.done $0x0  }
0x8f: {  	[sflag:s9] =	ssyncadd.s32 $0xFFFF6000  }
0x90: {  	v3 =	vld [tilespmem:$0x100];
	_ =	sdelay $0x4  }
0x91: {  	v58 =	vshll.u32 v3, $0x3  }
0x92: {  	v3 =	vand.u32 $0x7, v3;
	v4 =	vand.u32 $0xFFFFFFC0, v58  }
0x93: {  	v3 =	vor.u32 v3, v4  }
0x94: {  	v4 =	vperm.xlane v3, v0;
	_ =	sdelay $0x1  }
0x95: {  	v4 =	vadd.s32 v1, v4;
	_ =	sdelay $0x4  }
0x96: {  	[tilespmem:s31], [sflag:$0x1] =	stream.indirect_vreg.gather [hbm4b:s1+s3], $0x80, v4, vm0, $0xb8;
	[tilespmem:$0x14200] =	vst v63  }
0x97: {  	v3 =	vperm.xlane v3, v2  }
0x98: {  	[tilespmem:s2], [sflag:$0x1] =	stream.indirect_vreg.gather [hbm4b:s5+s3], $0x80, v4, vm0, $0xb8;
	[tilespmem:$0x14200] =	vst v63  }
0x99: {  	v3 =	vadd.s32 v1, v3  }
0x9a: {  	[tilespmem:s0], [sflag:$0x1] =	stream.indirect_vreg.gather [hbm4b:s6+s3], $0x80, v4, vm0, $0xb8;
	[tilespmem:$0x14200] =	vst v63  }
0x9b: {  	_ = 	snop  }
0x9c: {  	[tilespmem:s11], [sflag:$0x1] =	stream.indirect_vreg.gather [hbm4b:s7+s3], $0x80, v4, vm0, $0xb8;
	[tilespmem:$0x14200] =	vst v63  }
0x9d: {  	_ = 	snop  }
0x9e: {  	[tilespmem:s12], [sflag:$0x1] =	stream.indirect_vreg.gather [hbm4b:s1+s3], $0x80, v3, vm0, $0xb8;
	[tilespmem:$0x14200] =	vst v63  }
0x9f: {  	_ = 	snop  }
0xa0: {  	[tilespmem:s13], [sflag:$0x1] =	stream.indirect_vreg.gather [hbm4b:s5+s3], $0x80, v3, vm0, $0xb8;
	[tilespmem:$0x14200] =	vst v63  }
0xa1: {  	_ = 	snop  }
0xa2: {  	[tilespmem:s14], [sflag:$0x1] =	stream.indirect_vreg.gather [hbm4b:s6+s3], $0x80, v3, vm0, $0xb8;
	[tilespmem:$0x14200] =	vst v63  }
0xa3: {  	_ = 	snop  }
0xa4: {  	[tilespmem:s15], [sflag:$0x1] =	stream.indirect_vreg.gather [hbm4b:s7+s3], $0x80, v3, vm0, $0xb8;
	[tilespmem:$0x14200] =	vst v63  }
0xa5: {  	v3 =	vld [tilespmem:$0x110];
	_ =	sdelay $0x4  }
0xa6: {  	v59 =	vshll.u32 v3, $0x3  }
0xa7: {  	v3 =	vand.u32 $0x7, v3;
	v4 =	vand.u32 $0xFFFFFFC0, v59  }
0xa8: {  	v3 =	vor.u32 v3, v4  }
0xa9: {  	v4 =	vperm.xlane v3, v0;
	_ =	sdelay $0x1  }
0xaa: {  	v4 =	vadd.s32 v1, v4;
	_ =	sdelay $0x4  }
0xab: {  	[tilespmem:s16], [sflag:$0x1] =	stream.indirect_vreg.gather [hbm4b:s1+s3], $0x80, v4, vm0, $0xb8;
	[tilespmem:$0x14200] =	vst v63  }
0xac: {  	v3 =	vperm.xlane v3, v2  }
0xad: {  	[tilespmem:s17], [sflag:$0x1] =	stream.indirect_vreg.gather [hbm4b:s5+s3], $0x80, v4, vm0, $0xb8;
	[tilespmem:$0x14200] =	vst v63  }
0xae: {  	v3 =	vadd.s32 v1, v3  }
0xaf: {  	[tilespmem:s18], [sflag:$0x1] =	stream.indirect_vreg.gather [hbm4b:s6+s3], $0x80, v4, vm0, $0xb8;
	[tilespmem:$0x14200] =	vst v63  }
0xb0: {  	_ = 	snop  }
0xb1: {  	[tilespmem:s19], [sflag:$0x1] =	stream.indirect_vreg.gather [hbm4b:s7+s3], $0x80, v4, vm0, $0xb8;
	[tilespmem:$0x14200] =	vst v63  }
0xb2: {  	_ = 	snop  }
0xb3: {  	[tilespmem:s20], [sflag:$0x1] =	stream.indirect_vreg.gather [hbm4b:s1+s3], $0x80, v3, vm0, $0xb8;
	[tilespmem:$0x14200] =	vst v63  }
0xb4: {  	_ = 	snop  }
0xb5: {  	[tilespmem:s21], [sflag:$0x1] =	stream.indirect_vreg.gather [hbm4b:s5+s3], $0x80, v3, vm0, $0xb8;
	[tilespmem:$0x14200] =	vst v63  }
0xb6: {  	_ = 	snop  }
0xb7: {  	[tilespmem:s22], [sflag:$0x1] =	stream.indirect_vreg.gather [hbm4b:s6+s3], $0x80, v3, vm0, $0xb8;
	[tilespmem:$0x14200] =	vst v63  }
0xb8: {  	_ = 	snop  }
0xb9: {  	[tilespmem:s23], [sflag:$0x1] =	stream.indirect_vreg.gather [hbm4b:s7+s3], $0x80, v3, vm0, $0xb8;
	[tilespmem:$0x14200] =	vst v63  }
0xba: {  	v3 =	vld.msk [tilespmem:$0x120], $0xff;
	_ =	sdelay $0x4  }
0xbb: {  	v60 =	vshll.u32 v3, $0x3  }
0xbc: {  	v3 =	vand.u32 $0x7, v3;
	v4 =	vand.u32 $0xFFFFFFC0, v60  }
0xbd: {  	v3 =	vor.u32 v3, v4  }
0xbe: {  	v3 =	vperm.xlane v3, v0;
	_ =	sdelay $0x1  }
0xbf: {  	v3 =	vadd.s32 v1, v3;
	_ =	sdelay $0x4  }
0xc0: {  	[tilespmem:s24], [sflag:$0x1] =	stream.indirect_vreg.gather [hbm4b:s1+s3], $0x80, v3, vm0, $0xb8;
	[tilespmem:$0x14200] =	vst v63  }
0xc1: {  	_ = 	snop  }
0xc2: {  	[tilespmem:s25], [sflag:$0x1] =	stream.indirect_vreg.gather [hbm4b:s5+s3], $0x80, v3, vm0, $0xb8;
	[tilespmem:$0x14200] =	vst v63  }
0xc3: {  	_ = 	snop  }
0xc4: {  	[tilespmem:s26], [sflag:$0x1] =	stream.indirect_vreg.gather [hbm4b:s6+s3], $0x80, v3, vm0, $0xb8;
	[tilespmem:$0x14200] =	vst v63  }
0xc5: {  	_ = 	snop  }
0xc6: {  	[tilespmem:s4], [sflag:$0x1] =	stream.indirect_vreg.gather [hbm4b:s7+s3], $0x80, v3, vm0, $0xb8;
	[tilespmem:$0x14200] =	vst v63  }
0xc7: {  	_ =	swait.ge [sflag:s29], $0xA000  }
0xc8: {  	[sflag:s29] =	ssyncset.done $0x0  }
0xc9: {  	s0 =	rddreg [dreg:$0x5];
	[sflag:s29] =	ssyncadd.s32 $0xFFFF6000  }
0xca: {  	[hbm4b:s0+s3] =	stream.linear.scatter [tilespmem:s28], [sflag:$0x3], $0xA000, $0x38;
	[tilespmem:$0x14200] =	vst v63  }
0xcb: {  	_ =	swait.ge [sflag:s9], $0xA000  }
0xcc: {  	[sflag:s9] =	ssyncset.done $0x0  }
0xcd: {  	[sflag:s9] =	ssyncadd.s32 $0xFFFF6000  }
0xce: {  	v3 =	vld [tilespmem:$0x180];
	_ =	sdelay $0x4  }
0xcf: {  	v61 =	vshll.u32 v3, $0x3  }
0xd0: {  	v3 =	vand.u32 $0x7, v3;
	v4 =	vand.u32 $0xFFFFFFC0, v61  }
0xd1: {  	v3 =	vor.u32 v3, v4  }
0xd2: {  	v4 =	vperm.xlane v3, v0;
	_ =	sdelay $0x1  }
0xd3: {  	v4 =	vadd.s32 v1, v4;
	_ =	sdelay $0x4  }
0xd4: {  	[tilespmem:s28], [sflag:$0x2] =	stream.indirect_vreg.gather [hbm4b:s1+s3], $0x80, v4, vm0, $0xb8;
	[tilespmem:$0x14200] =	vst v63  }
0xd5: {  	s30 =	simm.s32 $0xAA00;
	v3 =	vperm.xlane v3, v2  }
0xd6: {  	[tilespmem:s30], [sflag:$0x2] =	stream.indirect_vreg.gather [hbm4b:s5+s3], $0x80, v4, vm0, $0xb8;
	[tilespmem:$0x14200] =	vst v63  }
0xd7: {  	v3 =	vadd.s32 v1, v3;
	s30 =	simm.s32 $0xB200  }
0xd8: {  	[tilespmem:s30], [sflag:$0x2] =	stream.indirect_vreg.gather [hbm4b:s6+s3], $0x80, v4, vm0, $0xb8;
	[tilespmem:$0x14200] =	vst v63  }
0xd9: {  	s30 =	simm.s32 $0xBA00  }
0xda: {  	[tilespmem:s30], [sflag:$0x2] =	stream.indirect_vreg.gather [hbm4b:s7+s3], $0x80, v4, vm0, $0xb8;
	[tilespmem:$0x14200] =	vst v63  }
0xdb: {  	s30 =	simm.s32 $0xC200  }
0xdc: {  	[tilespmem:s30], [sflag:$0x2] =	stream.indirect_vreg.gather [hbm4b:s1+s3], $0x80, v3, vm0, $0xb8;
	[tilespmem:$0x14200] =	vst v63  }
0xdd: {  	s30 =	simm.s32 $0xCA00  }
0xde: {  	[tilespmem:s30], [sflag:$0x2] =	stream.indirect_vreg.gather [hbm4b:s5+s3], $0x80, v3, vm0, $0xb8;
	[tilespmem:$0x14200] =	vst v63  }
0xdf: {  	s30 =	simm.s32 $0xD200  }
0xe0: {  	[tilespmem:s30], [sflag:$0x2] =	stream.indirect_vreg.gather [hbm4b:s6+s3], $0x80, v3, vm0, $0xb8;
	[tilespmem:$0x14200] =	vst v63  }
0xe1: {  	s30 =	simm.s32 $0xDA00  }
0xe2: {  	[tilespmem:s30], [sflag:$0x2] =	stream.indirect_vreg.gather [hbm4b:s7+s3], $0x80, v3, vm0, $0xb8;
	[tilespmem:$0x14200] =	vst v63  }
0xe3: {  	v3 =	vld [tilespmem:$0x190];
	_ =	sdelay $0x4  }
0xe4: {  	v62 =	vshll.u32 v3, $0x3  }
0xe5: {  	v3 =	vand.u32 $0x7, v3;
	v4 =	vand.u32 $0xFFFFFFC0, v62  }
0xe6: {  	v3 =	vor.u32 v3, v4  }
0xe7: {  	v4 =	vperm.xlane v3, v0;
	_ =	sdelay $0x1  }
0xe8: {  	v4 =	vadd.s32 v1, v4;
	_ =	sdelay $0x3  }
0xe9: {  	s30 =	simm.s32 $0xE200  }
0xea: {  	[tilespmem:s30], [sflag:$0x2] =	stream.indirect_vreg.gather [hbm4b:s1+s3], $0x80, v4, vm0, $0xb8;
	[tilespmem:$0x14200] =	vst v63  }
0xeb: {  	v3 =	vperm.xlane v3, v2;
	s30 =	simm.s32 $0xEA00  }
0xec: {  	[tilespmem:s30], [sflag:$0x2] =	stream.indirect_vreg.gather [hbm4b:s5+s3], $0x80, v4, vm0, $0xb8;
	[tilespmem:$0x14200] =	vst v63  }
0xed: {  	v3 =	vadd.s32 v1, v3;
	s30 =	simm.s32 $0xF200  }
0xee: {  	[tilespmem:s30], [sflag:$0x2] =	stream.indirect_vreg.gather [hbm4b:s6+s3], $0x80, v4, vm0, $0xb8;
	[tilespmem:$0x14200] =	vst v63  }
0xef: {  	s30 =	simm.s32 $0xFA00  }
0xf0: {  	[tilespmem:s30], [sflag:$0x2] =	stream.indirect_vreg.gather [hbm4b:s7+s3], $0x80, v4, vm0, $0xb8;
	[tilespmem:$0x14200] =	vst v63  }
0xf1: {  	s30 =	simm.s32 $0x10200  }
0xf2: {  	[tilespmem:s30], [sflag:$0x2] =	stream.indirect_vreg.gather [hbm4b:s1+s3], $0x80, v3, vm0, $0xb8;
	[tilespmem:$0x14200] =	vst v63  }
0xf3: {  	s30 =	simm.s32 $0x10A00  }
0xf4: {  	[tilespmem:s30], [sflag:$0x2] =	stream.indirect_vreg.gather [hbm4b:s5+s3], $0x80, v3, vm0, $0xb8;
	[tilespmem:$0x14200] =	vst v63  }
0xf5: {  	s30 =	simm.s32 $0x11200  }
0xf6: {  	[tilespmem:s30], [sflag:$0x2] =	stream.indirect_vreg.gather [hbm4b:s6+s3], $0x80, v3, vm0, $0xb8;
	[tilespmem:$0x14200] =	vst v63  }
0xf7: {  	s30 =	simm.s32 $0x11A00  }
0xf8: {  	[tilespmem:s30], [sflag:$0x2] =	stream.indirect_vreg.gather [hbm4b:s7+s3], $0x80, v3, vm0, $0xb8;
	[tilespmem:$0x14200] =	vst v63  }
0xf9: {  	v3 =	vld.msk [tilespmem:$0x1A0], $0xff;
	_ =	sdelay $0x4  }
0xfa: {  	v63 =	vshll.u32 v3, $0x3  }
0xfb: {  	v3 =	vand.u32 $0x7, v3;
	v4 =	vand.u32 $0xFFFFFFC0, v63  }
0xfc: {  	v3 =	vor.u32 v3, v4  }
0xfd: {  	v3 =	vperm.xlane v3, v0;
	_ =	sdelay $0x1  }
0xfe: {  	v3 =	vadd.s32 v1, v3;
	_ =	sdelay $0x3  }
0xff: {  	s30 =	simm.s32 $0x12200  }
0x100: {  	[tilespmem:s30], [sflag:$0x2] =	stream.indirect_vreg.gather [hbm4b:s1+s3], $0x80, v3, vm0, $0xb8;
	[tilespmem:$0x14200] =	vst v63  }
0x101: {  	s30 =	simm.s32 $0x12A00  }
0x102: {  	[tilespmem:s30], [sflag:$0x2] =	stream.indirect_vreg.gather [hbm4b:s5+s3], $0x80, v3, vm0, $0xb8;
	[tilespmem:$0x14200] =	vst v63  }
0x103: {  	s30 =	simm.s32 $0x13200  }
0x104: {  	[tilespmem:s30], [sflag:$0x2] =	stream.indirect_vreg.gather [hbm4b:s6+s3], $0x80, v3, vm0, $0xb8;
	[tilespmem:$0x14200] =	vst v63  }
0x105: {  	s30 =	simm.s32 $0x13A00  }
0x106: {  	[tilespmem:s30], [sflag:$0x2] =	stream.indirect_vreg.gather [hbm4b:s7+s3], $0x80, v3, vm0, $0xb8;
	[tilespmem:$0x14200] =	vst v63  }
0x107: {  	_ =	swait.ge [sflag:s10], $0xA000  }
0x108: {  	[sflag:s10] =	ssyncset.done $0x0  }
0x109: {  	s0 =	rddreg [dreg:$0x6];
	[sflag:s10] =	ssyncadd.s32 $0xFFFF6000  }
0x10a: {  	[hbm4b:s0+s3] =	stream.linear.scatter [tilespmem:s31], [sflag:$0x3], $0xA000, $0x38;
	[tilespmem:$0x14200] =	vst v63  }
0x10b: {  	_ =	swait.ge [sflag:s9], $0xA000  }
0x10c: {  	[sflag:s9] =	ssyncset.done $0x0  }
0x10d: {  	[sflag:s9] =	ssyncadd.s32 $0xFFFF6000  }
0x10e: {  	_ =	swait.ge [sflag:s29], $0xA000  }
0x10f: {  	p0 =	sne.s32 s8, $0x1;
	[sflag:s29] =	ssyncset.done $0x0  }
.Ltmp0:
0x110: {  	s0 =	rddreg [dreg:$0x7];
	[sflag:s29] =	ssyncadd.s32 $0xFFFF6000;
	(pc) =	sbr.rel @p0 .LBB2_1-.Ltmp0, $4  }
0x111: {  	[hbm4b:s0+s3] =	stream.linear.scatter [tilespmem:s28], [sflag:$0x3], $0xA000, $0x38;
	[tilespmem:$0x14200] =	vst v63  }
0x112: {  	_ =	swait.ge [sflag:s9], $0xA000  }
0x113: {  	[sflag:s9] =	ssyncset.done $0x0  }
0x114: {  	s8 =	sadd.s32 $0xFFFFFFFF, s8;
	[sflag:s9] =	ssyncadd.s32 $0xFFFF6000  }
0x115: {  	_ =	sfence.sel $0x180000  }
0x116: {  	[bflag:$0x0] =	sbarrier.arrive $0xFFFF  }
0x117: {  	_ =	strace $0x90000047  }
0x118: {  	s0 =	stileid.u32;
	[bflag:$0x2] =	sbarrier.arrive $0xFFFF  }
0x119: {  	p0 =	sne.s32 s0, $0x0;
	s0 =	rddreg [dreg:$0x3]  }
0x11a: {  	s0 =	sadd.s32 @!p0 $0x100000, s0  }
0x11b: {  	[sflag:s0] =	ssyncadd.tile.s32 @!p0 $0x1;
	_ =	shalt  }
.Lfunc_end2:
_tile_overlayer_lowered:
.L_overlay_start_2:
0x11c: {  	(tag) =	ssettag $0x2  }
0x11d: {  	s0 =	rddreg [dreg:$0x0];
	s2 =	stileid.u32  }
0x11e: {  	s1 =	rddreg [dreg:$0x1];
	p0 =	sne.s32 s2, $0x0  }
0x11f: {  	s3 =	rddreg [dreg:$0x2];
	[bflag:$0x3] =	sbarrier.arrive $0xFFFF;
	s2 =	simm.s32 @!p0 $0x1C03  }
0x120: {  	[timem:s3], [sflag:s2] =	dma.local @!p0 [hbm:s0], s1  }
0x121: {  	s0 =	simm.s32 @!p0 $0x3  }
0x122: {  	_ =	swait.ge @!p0 [sflag:s0], s1  }
0x123: {  	s1 =	ssub.s32 @!p0 $0x0, s1;
	[sflag:s0] =	ssyncset.done @!p0 $0x0  }
0x124: {  	[sflag:s0] =	ssyncadd.s32 @!p0 s1  }
0x125: {  	[bflag:$0x3] =	sbarrier.arrive $0xFFFF  }
0x126: {  	_ =	shalt  }

</sc_bundles>
